<compile_context>
chip_gen: v7x
topology: tpu7x:2x2x1
jax: 0.10.2.dev20260603
libtpu: 0.0.44.dev20260713+nightly
codegen_flags: <defaults>
</compile_context>

<pallas_src>
import functools

import numpy as np
import jax
import jax.numpy as jnp
from jax import lax
from jax.experimental import pallas as pl
from jax.experimental.pallas import tpu as pltpu
from jax.experimental.pallas import tpu_sc as plsc

_ARITY = 4
_GROUPS = 256
_OUT_DIM = 4
_LANES = 16
_NC = 2
_NS = 16
_NW = _NC * _NS


def _mask_tables():
    m1 = np.zeros((_ARITY, 8), dtype=np.int32)
    for p in range(_ARITY):
        others = [q for q in range(_ARITY) if q != p]
        for j in range(8):
            m = 1 << p
            for t in range(3):
                if (j >> t) & 1:
                    m += 1 << others[t]
            m1[p, j] = m
    m0 = m1 - (1 << np.arange(_ARITY, dtype=np.int32))[:, None]
    return m1, m0


_M1, _M0 = _mask_tables()


def _build_dtab(params):
    keep = jnp.asarray((_M0 > 0), params.dtype)[None, :, :, None]
    d = params[:, _M1, :] - keep * params[:, _M0, :]
    return jnp.transpose(d, (1, 2, 3, 0)).reshape(-1)


@functools.lru_cache(maxsize=None)
def _make_sc_kernel(batch: int, width: int):
    rows_per_w = batch // _NW
    R = 16
    n_chunks = rows_per_w // R
    assert rows_per_w % R == 0 and n_chunks % 2 == 0
    vecs = width // (_ARITY * _LANES)
    assert vecs == 16

    mesh = plsc.VectorSubcoreMesh(core_axis_name="c", subcore_axis_name="s")

    @functools.partial(
        pl.kernel,
        mesh=mesh,
        compiler_params=pltpu.CompilerParams(
            use_tc_tiling_on_sc=True, needs_layout_passes=False),
        out_type=jax.ShapeDtypeStruct((batch, width), jnp.float32),
        scratch_types=[
            pltpu.VMEM((_GROUPS * 128,), jnp.float32),
            pltpu.VMEM((2, R, width), jnp.float32),
            pltpu.VMEM((2, R, width), jnp.float32),
            pltpu.SemaphoreType.DMA,
            pltpu.SemaphoreType.DMA,
            pltpu.SemaphoreType.DMA,
            pltpu.SemaphoreType.DMA,
        ],
    )
    def hoa(x_hbm, dtab_hbm, out_hbm, dtab_v, x_v, o_v, si0, si1, so0, so1):
        wid = lax.axis_index("s") * _NC + lax.axis_index("c")
        row0 = wid * rows_per_w
        in_sems = (si0, si1)
        out_sems = (so0, so1)

        pltpu.sync_copy(dtab_hbm, dtab_v)

        iota = lax.iota(jnp.int32, _LANES)
        i4 = iota * 4
        ones = jnp.ones((_LANES,), jnp.int32)
        zeros = jnp.zeros((_LANES,), jnp.int32)

        def in_copy(c, buf):
            return pltpu.make_async_copy(
                x_hbm.at[pl.ds(row0 + c * R, R)], x_v.at[buf], in_sems[buf])

        def out_copy(c, buf):
            return pltpu.make_async_copy(
                o_v.at[buf], out_hbm.at[pl.ds(row0 + c * R, R)], out_sems[buf])

        _dt_len = (96 + 7 * 4) * _GROUPS + _GROUPS
        dtab_lv = [dtab_v.at[pl.ds(l * _GROUPS, _dt_len)]
                   for l in range(_OUT_DIM)]

        def compute_chunk(buf):
            xb = x_v.at[buf]
            ob = o_v.at[buf]

            @plsc.parallel_loop(0, R * vecs, unroll=3)
            def _(i):
                r = i >> 4
                v = i & 15
                ir = zeros + r
                cb = i4 + v * (_ARITY * _LANES)
                a0 = plsc.load_gather(xb, [ir, cb])
                a1 = plsc.load_gather(xb, [ir, cb + 1])
                a2 = plsc.load_gather(xb, [ir, cb + 2])
                a3 = plsc.load_gather(xb, [ir, cb + 3])
                s01 = jnp.where(a1 >= a0, ones, zeros)
                s02 = jnp.where(a2 >= a0, ones, zeros)
                s03 = jnp.where(a3 >= a0, ones, zeros)
                s12 = jnp.where(a2 >= a1, ones, zeros)
                s13 = jnp.where(a3 >= a1, ones, zeros)
                s23 = jnp.where(a3 >= a2, ones, zeros)
                t12 = s12 * 2
                t13 = s13 * 2
                t23 = s23 * 4
                j0 = s01 + s02 * 2 + s03 * 4
                j1 = (ones - s01) + t12 + s13 * 4
                j2 = (3 - s02) - t12 + t23
                j3 = (7 - s03) - t13 - t23
                gv = iota + v * _LANES
                t0 = j0 * (4 * _GROUPS) + gv
                t1 = j1 * (4 * _GROUPS) + (gv + 32 * _GROUPS)
                t2 = j2 * (4 * _GROUPS) + (gv + 64 * _GROUPS)
                t3 = j3 * (4 * _GROUPS) + (gv + 96 * _GROUPS)
                for l in range(_OUT_DIM):
                    dt = dtab_lv[l]
                    d0 = plsc.load_gather(dt, [t0])
                    d1 = plsc.load_gather(dt, [t1])
                    d2 = plsc.load_gather(dt, [t2])
                    d3 = plsc.load_gather(dt, [t3])
                    acc = a0 * d0 + a1 * d1 + a2 * d2 + a3 * d3
                    plsc.store_scatter(ob, [ir, cb + l], acc)

        in_copy(0, 0).start()

        def pair_body(pair, carry):
            for b in (0, 1):
                c = pair * 2 + b
                in_copy(c, b).wait()

                @pl.when(c + 1 < n_chunks)
                def _():
                    in_copy(c + 1, 1 - b).start()

                @pl.when(c >= 2)
                def _():
                    out_copy(c - 2, b).wait()

                compute_chunk(b)
                out_copy(c, b).start()
            return carry

        lax.fori_loop(0, n_chunks // 2, pair_body, 0)
        out_copy(n_chunks - 2, 0).wait()
        out_copy(n_chunks - 1, 1).wait()

    return hoa


def kernel(X, params):
    batch, width = X.shape
    dtab = _build_dtab(params.astype(jnp.float32))
    fn = _make_sc_kernel(batch, width)
    return fn(X.astype(jnp.float32), dtab)

# --- scband reference (transcript-rebuilt; emitter-appended) ---
"""Pipeline reference for scband-high-order-activation-a-16741782520152 (READ-ONLY COPY).

The authoritative reference and input builder live on the scoring server;
editing this copy changes nothing except your own understanding.
"""

import jax, jax.numpy as jnp
import numpy as np

ARITY = 4
GROUPS = 256
OUT_DIM = 4
BATCH = 16384


def _cartesian_power(values, power):
    if power == 0:
        return np.zeros([1, 0], dtype=np.float32)
    A = _cartesian_power(values, power - 1)
    return np.concatenate(
        [np.concatenate([A, np.full([A.shape[0], 1], x, dtype=np.float32)], axis=1) for x in values],
        axis=0,
    )


def setup_inputs(seed: int = 0) -> dict:
    key = jax.random.key(seed)
    k1, _ = jax.random.split(key)
    X = jax.random.uniform(k1, (BATCH, GROUPS * ARITY), dtype=jnp.float32)
    # Faithful param init: randn then overwritten with max over cartesian power coords
    coords = _cartesian_power([0.0, 1.0], ARITY)  # [2**ARITY, ARITY]
    base = np.max(coords, axis=1).reshape(1, 2 ** ARITY, 1)
    params = jnp.asarray(np.broadcast_to(base, (GROUPS, 2 ** ARITY, OUT_DIM)).astype(np.float32).copy())
    return {"X": X, "params": params}


def _high_order_act(A, params):
    # A: [B, G, arity], params: [G, 2**arity, out_dim]
    A_sort = jnp.sort(A, axis=2)
    A_ind = jnp.argsort(A, axis=2)
    A_diff = A_sort[:, :, 1:] - A_sort[:, :, :-1]
    coef = jnp.concatenate([A_sort[:, :, 0:1], A_diff], axis=2)  # [B, G, arity]
    pow2 = jnp.power(2, A_ind).astype(jnp.int32)
    params_A_ind = jnp.flip(jnp.cumsum(jnp.flip(pow2, axis=2), axis=2), axis=2)  # [B, G, arity]
    ind0 = jnp.arange(params.shape[0])[:, None, None]  # [G,1,1]
    ind1 = jnp.transpose(params_A_ind, (1, 0, 2))  # [G, B, arity]
    params_gather = params[ind0, ind1, :]  # [G, B, arity, out_dim]
    out = jnp.einsum('jikl,ijk->ijl', params_gather, coef)  # [B, G, out_dim]
    return out


def reference(X, params):
    X1 = X.reshape(X.shape[0], GROUPS, ARITY)
    out1 = _high_order_act(X1, params)
    out = out1.reshape(X.shape[0], GROUPS * OUT_DIM)
    return out

if __name__ == "__main__":
    import jax
    _d = setup_inputs()
    print(jax.jit(kernel)(*tuple(_d.values())))

</pallas_src>

<mosaic_0001>
#map = affine_map<(d0, d1) -> (0, 0)>
#map1 = affine_map<(d0, d1) -> (0)>
module attributes {stable_mosaic.version = 14 : i64} {
  func.func @hoa(%arg0: i32, %arg1: i32, %arg2: memref<16384x1024xf32, #tpu.memory_space<hbm>>, %arg3: memref<32768xf32, #tpu.memory_space<hbm>>, %arg4: memref<16384x1024xf32, #tpu.memory_space<hbm>>, %arg5: memref<32768xf32, #tpu.memory_space<vmem>>, %arg6: memref<2x16x1024xf32, #tpu.memory_space<vmem>>, %arg7: memref<2x16x1024xf32, #tpu.memory_space<vmem>>, %arg8: memref<!tpu.dma_semaphore, #tpu.memory_space<semaphore_mem>>, %arg9: memref<!tpu.dma_semaphore, #tpu.memory_space<semaphore_mem>>, %arg10: memref<!tpu.dma_semaphore, #tpu.memory_space<semaphore_mem>>, %arg11: memref<!tpu.dma_semaphore, #tpu.memory_space<semaphore_mem>>) attributes {dimension_semantics = [#tpu.dimension_semantics<core_parallel>, #tpu.dimension_semantics<subcore_parallel>], iteration_bounds = array<i64: 2, 16>, scalar_prefetch = 0 : i64, scratch_operands = 7 : i64, tpu.core_type = #tpu.core_type<sc_vector_subcore>, window_params = [{transform_indices = #map}, {transform_indices = #map1}, {transform_indices = #map}]} {
    %mul3A = arith.constant 2 : i32
    %mul3A_0 = arith.muli %arg1, %mul3A : i32
    %add3A = arith.addi %mul3A_0, %arg0 : i32
    %mul3A_1 = arith.constant 512 : i32
    %mul3A_2 = arith.muli %add3A, %mul3A_1 : i32
    "tpu.region"() ({
      %run_scoped3A = tpu.sem_alloc : memref<!tpu.dma_semaphore, #tpu.memory_space<semaphore_mem>>
      tpu.enqueue_dma source(%arg3 : memref<32768xf32, #tpu.memory_space<hbm>>) target(%arg5 : memref<32768xf32, #tpu.memory_space<vmem>>) target_semaphore(%run_scoped3A : memref<!tpu.dma_semaphore, #tpu.memory_space<semaphore_mem>>)
      tpu.wait_dma2 semaphore(%run_scoped3A : memref<!tpu.dma_semaphore, #tpu.memory_space<semaphore_mem>>) src(%arg3 : memref<32768xf32, #tpu.memory_space<hbm>>) dst(%arg5 : memref<32768xf32, #tpu.memory_space<vmem>>)
      tpu.yield
    }) : () -> ()
    %iota3A = tpu.iota {dimensions = array<i32: 0>} : vector<16xi32>
    %mul3A_3 = arith.constant 4 : i32
    %mul3A_4 = vector.broadcast %mul3A_3 : i32 to vector<16xi32>
    %mul3A_5 = arith.muli %iota3A, %mul3A_4 : vector<16xi32>
    %broadcast_in_dim3A = arith.constant 1 : i32
    %broadcast_in_dim3A_6 = vector.broadcast %broadcast_in_dim3A : i32 to vector<16xi32>
    %broadcast_in_dim3A_7 = arith.constant 0 : i32
    %broadcast_in_dim3A_8 = vector.broadcast %broadcast_in_dim3A_7 : i32 to vector<16xi32>
    %add3A_9 = arith.constant 0 : i32
    %add3A_10 = arith.addi %mul3A_2, %add3A_9 : i32
    %dma_start3A = arith.constant 0 : i32
    %dma_start3A_11 = arith.constant 0 : i32
    %dma_start3A_12 = arith.constant 0 : i32
    %dma_start3A_13 = tpu.memref_slice %arg6[%dma_start3A, %dma_start3A_11, %dma_start3A_12] : memref<2x16x1024xf32, #tpu.memory_space<vmem>> -> memref<1x16x1024xf32, #tpu.memory_space<vmem>>
    %dma_start3A_14 = tpu.memref_squeeze %dma_start3A_13 : memref<1x16x1024xf32, #tpu.memory_space<vmem>> -> memref<16x1024xf32, #tpu.memory_space<vmem>>
    %dma_start3A_15 = arith.constant 0 : i32
    %dma_start3A_16 = tpu.memref_slice %arg2[%add3A_10, %dma_start3A_15] : memref<16384x1024xf32, #tpu.memory_space<hbm>> -> memref<16x1024xf32, #tpu.memory_space<hbm>>
    %dma_start3A_17 = arith.constant 0 : i32
    %dma_start3A_18 = arith.constant 0 : i32
    %dma_start3A_19 = tpu.memref_slice %arg6[%dma_start3A, %dma_start3A_17, %dma_start3A_18] : memref<2x16x1024xf32, #tpu.memory_space<vmem>> -> memref<1x16x1024xf32, #tpu.memory_space<vmem>>
    %dma_start3A_20 = tpu.memref_squeeze %dma_start3A_19 : memref<1x16x1024xf32, #tpu.memory_space<vmem>> -> memref<16x1024xf32, #tpu.memory_space<vmem>>
    %dma_start3A_21 = arith.constant 0 : i32
    %dma_start3A_22 = tpu.memref_slice %arg2[%add3A_10, %dma_start3A_21] : memref<16384x1024xf32, #tpu.memory_space<hbm>> -> memref<16x1024xf32, #tpu.memory_space<hbm>>
    tpu.enqueue_dma source(%dma_start3A_22 : memref<16x1024xf32, #tpu.memory_space<hbm>>) target(%dma_start3A_20 : memref<16x1024xf32, #tpu.memory_space<vmem>>) target_semaphore(%arg8 : memref<!tpu.dma_semaphore, #tpu.memory_space<semaphore_mem>>)
    %scan3A = arith.constant 0 : i32
    %scan3A_23 = arith.constant 0 : i32
    %scan3A_24 = arith.constant 16 : i32
    %scan3A_25 = arith.addi %scan3A_23, %scan3A_24 : i32
    %scan3A_26 = arith.constant 1 : i32
    scf.for %scan3A_57 = %scan3A_23 to %scan3A_25 step %scan3A_26  : i32 {
      %mul3A_58 = arith.constant 2 : i32
      %mul3A_59 = arith.muli %scan3A_57, %mul3A_58 : i32
      %add3A_60 = arith.constant 0 : i32
      %add3A_61 = arith.addi %mul3A_59, %add3A_60 : i32
      %mul3A_62 = arith.constant 16 : i32
      %mul3A_63 = arith.muli %add3A_61, %mul3A_62 : i32
      %add3A_64 = arith.addi %mul3A_2, %mul3A_63 : i32
      %dma_wait3A_65 = arith.constant 0 : i32
      %dma_wait3A_66 = arith.constant 0 : i32
      %dma_wait3A_67 = arith.constant 0 : i32
      %dma_wait3A_68 = tpu.memref_slice %arg6[%dma_wait3A_65, %dma_wait3A_66, %dma_wait3A_67] : memref<2x16x1024xf32, #tpu.memory_space<vmem>> -> memref<1x16x1024xf32, #tpu.memory_space<vmem>>
      %dma_wait3A_69 = tpu.memref_squeeze %dma_wait3A_68 : memref<1x16x1024xf32, #tpu.memory_space<vmem>> -> memref<16x1024xf32, #tpu.memory_space<vmem>>
      %dma_wait3A_70 = arith.constant 0 : i32
      %dma_wait3A_71 = tpu.memref_slice %arg2[%add3A_64, %dma_wait3A_70] : memref<16384x1024xf32, #tpu.memory_space<hbm>> -> memref<16x1024xf32, #tpu.memory_space<hbm>>
      %dma_wait3A_72 = arith.constant 0 : i32
      %dma_wait3A_73 = arith.constant 0 : i32
      %dma_wait3A_74 = tpu.memref_slice %arg6[%dma_wait3A_65, %dma_wait3A_72, %dma_wait3A_73] : memref<2x16x1024xf32, #tpu.memory_space<vmem>> -> memref<1x16x1024xf32, #tpu.memory_space<vmem>>
      %dma_wait3A_75 = tpu.memref_squeeze %dma_wait3A_74 : memref<1x16x1024xf32, #tpu.memory_space<vmem>> -> memref<16x1024xf32, #tpu.memory_space<vmem>>
      %dma_wait3A_76 = arith.constant 0 : i32
      %dma_wait3A_77 = tpu.memref_slice %arg2[%add3A_64, %dma_wait3A_76] : memref<16384x1024xf32, #tpu.memory_space<hbm>> -> memref<16x1024xf32, #tpu.memory_space<hbm>>
      tpu.wait_dma2 semaphore(%arg8 : memref<!tpu.dma_semaphore, #tpu.memory_space<semaphore_mem>>) src(%dma_wait3A_77 : memref<16x1024xf32, #tpu.memory_space<hbm>>) dst(%dma_wait3A_75 : memref<16x1024xf32, #tpu.memory_space<vmem>>)
      %add3A_78 = arith.constant 1 : i32
      %add3A_79 = arith.addi %add3A_61, %add3A_78 : i32
      %lt3A = arith.constant 32 : i32
      %lt3A_80 = arith.cmpi slt, %add3A_79, %lt3A : i32
      %convert_element_type3A = arith.extui %lt3A_80 : i1 to i32
      %cond3A = arith.constant 0 : i32
      %cond3A_81 = arith.cmpi ne, %convert_element_type3A, %cond3A : i32
      scf.if %cond3A_81 {
        %add3A_159 = arith.constant 1 : i32
        %add3A_160 = arith.addi %add3A_61, %add3A_159 : i32
        %mul3A_161 = arith.constant 16 : i32
        %mul3A_162 = arith.muli %add3A_160, %mul3A_161 : i32
        %add3A_163 = arith.addi %mul3A_2, %mul3A_162 : i32
        %dma_start3A_164 = arith.constant 1 : i32
        %dma_start3A_165 = arith.constant 0 : i32
        %dma_start3A_166 = arith.constant 0 : i32
        %dma_start3A_167 = tpu.memref_slice %arg6[%dma_start3A_164, %dma_start3A_165, %dma_start3A_166] : memref<2x16x1024xf32, #tpu.memory_space<vmem>> -> memref<1x16x1024xf32, #tpu.memory_space<vmem>>
        %dma_start3A_168 = tpu.memref_squeeze %dma_start3A_167 : memref<1x16x1024xf32, #tpu.memory_space<vmem>> -> memref<16x1024xf32, #tpu.memory_space<vmem>>
        %dma_start3A_169 = arith.constant 0 : i32
        %dma_start3A_170 = tpu.memref_slice %arg2[%add3A_163, %dma_start3A_169] : memref<16384x1024xf32, #tpu.memory_space<hbm>> -> memref<16x1024xf32, #tpu.memory_space<hbm>>
        %dma_start3A_171 = arith.constant 0 : i32
        %dma_start3A_172 = arith.constant 0 : i32
        %dma_start3A_173 = tpu.memref_slice %arg6[%dma_start3A_164, %dma_start3A_171, %dma_start3A_172] : memref<2x16x1024xf32, #tpu.memory_space<vmem>> -> memref<1x16x1024xf32, #tpu.memory_space<vmem>>
        %dma_start3A_174 = tpu.memref_squeeze %dma_start3A_173 : memref<1x16x1024xf32, #tpu.memory_space<vmem>> -> memref<16x1024xf32, #tpu.memory_space<vmem>>
        %dma_start3A_175 = arith.constant 0 : i32
        %dma_start3A_176 = tpu.memref_slice %arg2[%add3A_163, %dma_start3A_175] : memref<16384x1024xf32, #tpu.memory_space<hbm>> -> memref<16x1024xf32, #tpu.memory_space<hbm>>
        tpu.enqueue_dma source(%dma_start3A_176 : memref<16x1024xf32, #tpu.memory_space<hbm>>) target(%dma_start3A_174 : memref<16x1024xf32, #tpu.memory_space<vmem>>) target_semaphore(%arg9 : memref<!tpu.dma_semaphore, #tpu.memory_space<semaphore_mem>>)
      } else {
      }
      %ge3A = arith.constant 2 : i32
      %ge3A_82 = arith.cmpi sge, %add3A_61, %ge3A : i32
      %convert_element_type3A_83 = arith.extui %ge3A_82 : i1 to i32
      %cond3A_84 = arith.constant 0 : i32
      %cond3A_85 = arith.cmpi ne, %convert_element_type3A_83, %cond3A_84 : i32
      scf.if %cond3A_85 {
        %sub3A = arith.constant 2 : i32
        %sub3A_159 = arith.subi %add3A_61, %sub3A : i32
        %mul3A_160 = arith.constant 16 : i32
        %mul3A_161 = arith.muli %sub3A_159, %mul3A_160 : i32
        %add3A_162 = arith.addi %mul3A_2, %mul3A_161 : i32
        %dma_wait3A_163 = arith.constant 0 : i32
        %dma_wait3A_164 = arith.constant 0 : i32
        %dma_wait3A_165 = arith.constant 0 : i32
        %dma_wait3A_166 = tpu.memref_slice %arg7[%dma_wait3A_163, %dma_wait3A_164, %dma_wait3A_165] : memref<2x16x1024xf32, #tpu.memory_space<vmem>> -> memref<1x16x1024xf32, #tpu.memory_space<vmem>>
        %dma_wait3A_167 = tpu.memref_squeeze %dma_wait3A_166 : memref<1x16x1024xf32, #tpu.memory_space<vmem>> -> memref<16x1024xf32, #tpu.memory_space<vmem>>
        %dma_wait3A_168 = arith.constant 0 : i32
        %dma_wait3A_169 = tpu.memref_slice %arg4[%add3A_162, %dma_wait3A_168] : memref<16384x1024xf32, #tpu.memory_space<hbm>> -> memref<16x1024xf32, #tpu.memory_space<hbm>>
        %dma_wait3A_170 = arith.constant 0 : i32
        %dma_wait3A_171 = tpu.memref_slice %arg4[%add3A_162, %dma_wait3A_170] : memref<16384x1024xf32, #tpu.memory_space<hbm>> -> memref<16x1024xf32, #tpu.memory_space<hbm>>
        %dma_wait3A_172 = arith.constant 0 : i32
        %dma_wait3A_173 = arith.constant 0 : i32
        %dma_wait3A_174 = tpu.memref_slice %arg7[%dma_wait3A_163, %dma_wait3A_172, %dma_wait3A_173] : memref<2x16x1024xf32, #tpu.memory_space<vmem>> -> memref<1x16x1024xf32, #tpu.memory_space<vmem>>
        %dma_wait3A_175 = tpu.memref_squeeze %dma_wait3A_174 : memref<1x16x1024xf32, #tpu.memory_space<vmem>> -> memref<16x1024xf32, #tpu.memory_space<vmem>>
        tpu.wait_dma2 semaphore(%arg10 : memref<!tpu.dma_semaphore, #tpu.memory_space<semaphore_mem>>) src(%dma_wait3A_175 : memref<16x1024xf32, #tpu.memory_space<vmem>>) dst(%dma_wait3A_171 : memref<16x1024xf32, #tpu.memory_space<hbm>>)
      } else {
      }
      %parallel_loop3A = arith.constant 0 : i32
      %parallel_loop3A_86 = arith.constant 256 : i32
      %parallel_loop3A_87 = arith.constant 1 : i32
      %parallel_loop3A_88 = arith.constant 0 : i32
      %parallel_loop3A_89 = arith.constant 0 : i32
      scf.for %parallel_loop3A_159 = %parallel_loop3A to %parallel_loop3A_86 step %parallel_loop3A_87  : i32 {
        %parallel_loop3A_160 = arith.constant 4 : i32
        %parallel_loop3A_161 = arith.shrsi %parallel_loop3A_159, %parallel_loop3A_160 : i32
        %parallel_loop3A_162 = arith.constant 15 : i32
        %parallel_loop3A_163 = arith.andi %parallel_loop3A_159, %parallel_loop3A_162 : i32
        %parallel_loop3A_164 = vector.broadcast %parallel_loop3A_161 : i32 to vector<16xi32>
        %parallel_loop3A_165 = arith.addi %broadcast_in_dim3A_8, %parallel_loop3A_164 : vector<16xi32>
        %parallel_loop3A_166 = arith.constant 64 : i32
        %parallel_loop3A_167 = arith.muli %parallel_loop3A_163, %parallel_loop3A_166 : i32
        %parallel_loop3A_168 = vector.broadcast %parallel_loop3A_167 : i32 to vector<16xi32>
        %parallel_loop3A_169 = arith.addi %mul3A_5, %parallel_loop3A_168 : vector<16xi32>
        %parallel_loop3A_170 = arith.constant 0 : i32
        %parallel_loop3A_171 = arith.constant 0 : i32
        %parallel_loop3A_172 = tpu.memref_slice %arg6[%parallel_loop3A_88, %parallel_loop3A_170, %parallel_loop3A_171] : memref<2x16x1024xf32, #tpu.memory_space<vmem>> -> memref<1x16x1024xf32, #tpu.memory_space<vmem>>
        %parallel_loop3A_173 = tpu.memref_squeeze %parallel_loop3A_172 : memref<1x16x1024xf32, #tpu.memory_space<vmem>> -> memref<16x1024xf32, #tpu.memory_space<vmem>>
        %parallel_loop3A_174 = tpu.vector_load_idx %parallel_loop3A_173[%parallel_loop3A_165, %parallel_loop3A_169] : memref<16x1024xf32, #tpu.memory_space<vmem>>[vector<16xi32>, vector<16xi32>], vector<16xf32>,
        %parallel_loop3A_175 = arith.constant 1 : i32
        %parallel_loop3A_176 = vector.broadcast %parallel_loop3A_175 : i32 to vector<16xi32>
        %parallel_loop3A_177 = arith.addi %parallel_loop3A_169, %parallel_loop3A_176 : vector<16xi32>
        %parallel_loop3A_178 = arith.constant 0 : i32
        %parallel_loop3A_179 = arith.constant 0 : i32
        %parallel_loop3A_180 = tpu.memref_slice %arg6[%parallel_loop3A_88, %parallel_loop3A_178, %parallel_loop3A_179] : memref<2x16x1024xf32, #tpu.memory_space<vmem>> -> memref<1x16x1024xf32, #tpu.memory_space<vmem>>
        %parallel_loop3A_181 = tpu.memref_squeeze %parallel_loop3A_180 : memref<1x16x1024xf32, #tpu.memory_space<vmem>> -> memref<16x1024xf32, #tpu.memory_space<vmem>>
        %parallel_loop3A_182 = tpu.vector_load_idx %parallel_loop3A_181[%parallel_loop3A_165, %parallel_loop3A_177] : memref<16x1024xf32, #tpu.memory_space<vmem>>[vector<16xi32>, vector<16xi32>], vector<16xf32>,
        %parallel_loop3A_183 = arith.constant 2 : i32
        %parallel_loop3A_184 = vector.broadcast %parallel_loop3A_183 : i32 to vector<16xi32>
        %parallel_loop3A_185 = arith.addi %parallel_loop3A_169, %parallel_loop3A_184 : vector<16xi32>
        %parallel_loop3A_186 = arith.constant 0 : i32
        %parallel_loop3A_187 = arith.constant 0 : i32
        %parallel_loop3A_188 = tpu.memref_slice %arg6[%parallel_loop3A_88, %parallel_loop3A_186, %parallel_loop3A_187] : memref<2x16x1024xf32, #tpu.memory_space<vmem>> -> memref<1x16x1024xf32, #tpu.memory_space<vmem>>
        %parallel_loop3A_189 = tpu.memref_squeeze %parallel_loop3A_188 : memref<1x16x1024xf32, #tpu.memory_space<vmem>> -> memref<16x1024xf32, #tpu.memory_space<vmem>>
        %parallel_loop3A_190 = tpu.vector_load_idx %parallel_loop3A_189[%parallel_loop3A_165, %parallel_loop3A_185] : memref<16x1024xf32, #tpu.memory_space<vmem>>[vector<16xi32>, vector<16xi32>], vector<16xf32>,
        %parallel_loop3A_191 = arith.constant 3 : i32
        %parallel_loop3A_192 = vector.broadcast %parallel_loop3A_191 : i32 to vector<16xi32>
        %parallel_loop3A_193 = arith.addi %parallel_loop3A_169, %parallel_loop3A_192 : vector<16xi32>
        %parallel_loop3A_194 = arith.constant 0 : i32
        %parallel_loop3A_195 = arith.constant 0 : i32
        %parallel_loop3A_196 = tpu.memref_slice %arg6[%parallel_loop3A_88, %parallel_loop3A_194, %parallel_loop3A_195] : memref<2x16x1024xf32, #tpu.memory_space<vmem>> -> memref<1x16x1024xf32, #tpu.memory_space<vmem>>
        %parallel_loop3A_197 = tpu.memref_squeeze %parallel_loop3A_196 : memref<1x16x1024xf32, #tpu.memory_space<vmem>> -> memref<16x1024xf32, #tpu.memory_space<vmem>>
        %parallel_loop3A_198 = tpu.vector_load_idx %parallel_loop3A_197[%parallel_loop3A_165, %parallel_loop3A_193] : memref<16x1024xf32, #tpu.memory_space<vmem>>[vector<16xi32>, vector<16xi32>], vector<16xf32>,
        %parallel_loop3A_199 = arith.cmpf oge, %parallel_loop3A_182, %parallel_loop3A_174 : vector<16xf32>
        %parallel_loop3A_200 = arith.select %parallel_loop3A_199, %broadcast_in_dim3A_6, %broadcast_in_dim3A_8 : vector<16xi1>, vector<16xi32>
        %parallel_loop3A_201 = arith.cmpf oge, %parallel_loop3A_190, %parallel_loop3A_174 : vector<16xf32>
        %parallel_loop3A_202 = arith.select %parallel_loop3A_201, %broadcast_in_dim3A_6, %broadcast_in_dim3A_8 : vector<16xi1>, vector<16xi32>
        %parallel_loop3A_203 = arith.cmpf oge, %parallel_loop3A_198, %parallel_loop3A_174 : vector<16xf32>
        %parallel_loop3A_204 = arith.select %parallel_loop3A_203, %broadcast_in_dim3A_6, %broadcast_in_dim3A_8 : vector<16xi1>, vector<16xi32>
        %parallel_loop3A_205 = arith.cmpf oge, %parallel_loop3A_190, %parallel_loop3A_182 : vector<16xf32>
        %parallel_loop3A_206 = arith.select %parallel_loop3A_205, %broadcast_in_dim3A_6, %broadcast_in_dim3A_8 : vector<16xi1>, vector<16xi32>
        %parallel_loop3A_207 = arith.cmpf oge, %parallel_loop3A_198, %parallel_loop3A_182 : vector<16xf32>
        %parallel_loop3A_208 = arith.select %parallel_loop3A_207, %broadcast_in_dim3A_6, %broadcast_in_dim3A_8 : vector<16xi1>, vector<16xi32>
        %parallel_loop3A_209 = arith.cmpf oge, %parallel_loop3A_198, %parallel_loop3A_190 : vector<16xf32>
        %parallel_loop3A_210 = arith.select %parallel_loop3A_209, %broadcast_in_dim3A_6, %broadcast_in_dim3A_8 : vector<16xi1>, vector<16xi32>
        %parallel_loop3A_211 = arith.constant 2 : i32
        %parallel_loop3A_212 = vector.broadcast %parallel_loop3A_211 : i32 to vector<16xi32>
        %parallel_loop3A_213 = arith.muli %parallel_loop3A_206, %parallel_loop3A_212 : vector<16xi32>
        %parallel_loop3A_214 = arith.constant 2 : i32
        %parallel_loop3A_215 = vector.broadcast %parallel_loop3A_214 : i32 to vector<16xi32>
        %parallel_loop3A_216 = arith.muli %parallel_loop3A_208, %parallel_loop3A_215 : vector<16xi32>
        %parallel_loop3A_217 = arith.constant 4 : i32
        %parallel_loop3A_218 = vector.broadcast %parallel_loop3A_217 : i32 to vector<16xi32>
        %parallel_loop3A_219 = arith.muli %parallel_loop3A_210, %parallel_loop3A_218 : vector<16xi32>
        %parallel_loop3A_220 = arith.constant 2 : i32
        %parallel_loop3A_221 = vector.broadcast %parallel_loop3A_220 : i32 to vector<16xi32>
        %parallel_loop3A_222 = arith.muli %parallel_loop3A_202, %parallel_loop3A_221 : vector<16xi32>
        %parallel_loop3A_223 = arith.addi %parallel_loop3A_200, %parallel_loop3A_222 : vector<16xi32>
        %parallel_loop3A_224 = arith.constant 4 : i32
        %parallel_loop3A_225 = vector.broadcast %parallel_loop3A_224 : i32 to vector<16xi32>
        %parallel_loop3A_226 = arith.muli %parallel_loop3A_204, %parallel_loop3A_225 : vector<16xi32>
        %parallel_loop3A_227 = arith.addi %parallel_loop3A_223, %parallel_loop3A_226 : vector<16xi32>
        %parallel_loop3A_228 = arith.subi %broadcast_in_dim3A_6, %parallel_loop3A_200 : vector<16xi32>
        %parallel_loop3A_229 = arith.addi %parallel_loop3A_228, %parallel_loop3A_213 : vector<16xi32>
        %parallel_loop3A_230 = arith.constant 4 : i32
        %parallel_loop3A_231 = vector.broadcast %parallel_loop3A_230 : i32 to vector<16xi32>
        %parallel_loop3A_232 = arith.muli %parallel_loop3A_208, %parallel_loop3A_231 : vector<16xi32>
        %parallel_loop3A_233 = arith.addi %parallel_loop3A_229, %parallel_loop3A_232 : vector<16xi32>
        %parallel_loop3A_234 = arith.constant 3 : i32
        %parallel_loop3A_235 = vector.broadcast %parallel_loop3A_234 : i32 to vector<16xi32>
        %parallel_loop3A_236 = arith.subi %parallel_loop3A_235, %parallel_loop3A_202 : vector<16xi32>
        %parallel_loop3A_237 = arith.subi %parallel_loop3A_236, %parallel_loop3A_213 : vector<16xi32>
        %parallel_loop3A_238 = arith.addi %parallel_loop3A_237, %parallel_loop3A_219 : vector<16xi32>
        %parallel_loop3A_239 = arith.constant 7 : i32
        %parallel_loop3A_240 = vector.broadcast %parallel_loop3A_239 : i32 to vector<16xi32>
        %parallel_loop3A_241 = arith.subi %parallel_loop3A_240, %parallel_loop3A_204 : vector<16xi32>
        %parallel_loop3A_242 = arith.subi %parallel_loop3A_241, %parallel_loop3A_216 : vector<16xi32>
        %parallel_loop3A_243 = arith.subi %parallel_loop3A_242, %parallel_loop3A_219 : vector<16xi32>
        %parallel_loop3A_244 = arith.constant 16 : i32
        %parallel_loop3A_245 = arith.muli %parallel_loop3A_163, %parallel_loop3A_244 : i32
        %parallel_loop3A_246 = vector.broadcast %parallel_loop3A_245 : i32 to vector<16xi32>
        %parallel_loop3A_247 = arith.addi %iota3A, %parallel_loop3A_246 : vector<16xi32>
        %parallel_loop3A_248 = arith.constant 1024 : i32
        %parallel_loop3A_249 = vector.broadcast %parallel_loop3A_248 : i32 to vector<16xi32>
        %parallel_loop3A_250 = arith.muli %parallel_loop3A_227, %parallel_loop3A_249 : vector<16xi32>
        %parallel_loop3A_251 = arith.addi %parallel_loop3A_250, %parallel_loop3A_247 : vector<16xi32>
        %parallel_loop3A_252 = arith.constant 1024 : i32
        %parallel_loop3A_253 = vector.broadcast %parallel_loop3A_252 : i32 to vector<16xi32>
        %parallel_loop3A_254 = arith.muli %parallel_loop3A_233, %parallel_loop3A_253 : vector<16xi32>
        %parallel_loop3A_255 = arith.constant 8192 : i32
        %parallel_loop3A_256 = vector.broadcast %parallel_loop3A_255 : i32 to vector<16xi32>
        %parallel_loop3A_257 = arith.addi %parallel_loop3A_247, %parallel_loop3A_256 : vector<16xi32>
        %parallel_loop3A_258 = arith.addi %parallel_loop3A_254, %parallel_loop3A_257 : vector<16xi32>
        %parallel_loop3A_259 = arith.constant 1024 : i32
        %parallel_loop3A_260 = vector.broadcast %parallel_loop3A_259 : i32 to vector<16xi32>
        %parallel_loop3A_261 = arith.muli %parallel_loop3A_238, %parallel_loop3A_260 : vector<16xi32>
        %parallel_loop3A_262 = arith.constant 16384 : i32
        %parallel_loop3A_263 = vector.broadcast %parallel_loop3A_262 : i32 to vector<16xi32>
        %parallel_loop3A_264 = arith.addi %parallel_loop3A_247, %parallel_loop3A_263 : vector<16xi32>
        %parallel_loop3A_265 = arith.addi %parallel_loop3A_261, %parallel_loop3A_264 : vector<16xi32>
        %parallel_loop3A_266 = arith.constant 1024 : i32
        %parallel_loop3A_267 = vector.broadcast %parallel_loop3A_266 : i32 to vector<16xi32>
        %parallel_loop3A_268 = arith.muli %parallel_loop3A_243, %parallel_loop3A_267 : vector<16xi32>
        %parallel_loop3A_269 = arith.constant 24576 : i32
        %parallel_loop3A_270 = vector.broadcast %parallel_loop3A_269 : i32 to vector<16xi32>
        %parallel_loop3A_271 = arith.addi %parallel_loop3A_247, %parallel_loop3A_270 : vector<16xi32>
        %parallel_loop3A_272 = arith.addi %parallel_loop3A_268, %parallel_loop3A_271 : vector<16xi32>
        %parallel_loop3A_273 = arith.constant 0 : i32
        %parallel_loop3A_274 = tpu.memref_slice %arg5[%parallel_loop3A_273] : memref<32768xf32, #tpu.memory_space<vmem>> -> memref<32000xf32, #tpu.memory_space<vmem>>
        %parallel_loop3A_275 = tpu.vector_load_idx %parallel_loop3A_274[%parallel_loop3A_251] : memref<32000xf32, #tpu.memory_space<vmem>>[vector<16xi32>], vector<16xf32>,
        %parallel_loop3A_276 = arith.constant 0 : i32
        %parallel_loop3A_277 = tpu.memref_slice %arg5[%parallel_loop3A_276] : memref<32768xf32, #tpu.memory_space<vmem>> -> memref<32000xf32, #tpu.memory_space<vmem>>
        %parallel_loop3A_278 = tpu.vector_load_idx %parallel_loop3A_277[%parallel_loop3A_258] : memref<32000xf32, #tpu.memory_space<vmem>>[vector<16xi32>], vector<16xf32>,
        %parallel_loop3A_279 = arith.constant 0 : i32
        %parallel_loop3A_280 = tpu.memref_slice %arg5[%parallel_loop3A_279] : memref<32768xf32, #tpu.memory_space<vmem>> -> memref<32000xf32, #tpu.memory_space<vmem>>
        %parallel_loop3A_281 = tpu.vector_load_idx %parallel_loop3A_280[%parallel_loop3A_265] : memref<32000xf32, #tpu.memory_space<vmem>>[vector<16xi32>], vector<16xf32>,
        %parallel_loop3A_282 = arith.constant 0 : i32
        %parallel_loop3A_283 = tpu.memref_slice %arg5[%parallel_loop3A_282] : memref<32768xf32, #tpu.memory_space<vmem>> -> memref<32000xf32, #tpu.memory_space<vmem>>
        %parallel_loop3A_284 = tpu.vector_load_idx %parallel_loop3A_283[%parallel_loop3A_272] : memref<32000xf32, #tpu.memory_space<vmem>>[vector<16xi32>], vector<16xf32>,
        %parallel_loop3A_285 = arith.mulf %parallel_loop3A_174, %parallel_loop3A_275 : vector<16xf32>
        %parallel_loop3A_286 = arith.mulf %parallel_loop3A_182, %parallel_loop3A_278 : vector<16xf32>
        %parallel_loop3A_287 = arith.addf %parallel_loop3A_285, %parallel_loop3A_286 : vector<16xf32>
        %parallel_loop3A_288 = arith.mulf %parallel_loop3A_190, %parallel_loop3A_281 : vector<16xf32>
        %parallel_loop3A_289 = arith.addf %parallel_loop3A_287, %parallel_loop3A_288 : vector<16xf32>
        %parallel_loop3A_290 = arith.mulf %parallel_loop3A_198, %parallel_loop3A_284 : vector<16xf32>
        %parallel_loop3A_291 = arith.addf %parallel_loop3A_289, %parallel_loop3A_290 : vector<16xf32>
        %parallel_loop3A_292 = arith.constant 0 : i32
        %parallel_loop3A_293 = vector.broadcast %parallel_loop3A_292 : i32 to vector<16xi32>
        %parallel_loop3A_294 = arith.addi %parallel_loop3A_169, %parallel_loop3A_293 : vector<16xi32>
        %parallel_loop3A_295 = arith.constant 0 : i32
        %parallel_loop3A_296 = arith.constant 0 : i32
        %parallel_loop3A_297 = tpu.memref_slice %arg7[%parallel_loop3A_89, %parallel_loop3A_295, %parallel_loop3A_296] : memref<2x16x1024xf32, #tpu.memory_space<vmem>> -> memref<1x16x1024xf32, #tpu.memory_space<vmem>>
        %parallel_loop3A_298 = tpu.memref_squeeze %parallel_loop3A_297 : memref<1x16x1024xf32, #tpu.memory_space<vmem>> -> memref<16x1024xf32, #tpu.memory_space<vmem>>
        tpu.vector_store_idx %parallel_loop3A_298[%parallel_loop3A_165, %parallel_loop3A_294], %parallel_loop3A_291 : memref<16x1024xf32, #tpu.memory_space<vmem>>[vector<16xi32>, vector<16xi32>], vector<16xf32>,
        %parallel_loop3A_299 = arith.constant 256 : i32
        %parallel_loop3A_300 = tpu.memref_slice %arg5[%parallel_loop3A_299] : memref<32768xf32, #tpu.memory_space<vmem>> -> memref<32000xf32, #tpu.memory_space<vmem>>
        %parallel_loop3A_301 = tpu.vector_load_idx %parallel_loop3A_300[%parallel_loop3A_251] : memref<32000xf32, #tpu.memory_space<vmem>>[vector<16xi32>], vector<16xf32>,
        %parallel_loop3A_302 = arith.constant 256 : i32
        %parallel_loop3A_303 = tpu.memref_slice %arg5[%parallel_loop3A_302] : memref<32768xf32, #tpu.memory_space<vmem>> -> memref<32000xf32, #tpu.memory_space<vmem>>
        %parallel_loop3A_304 = tpu.vector_load_idx %parallel_loop3A_303[%parallel_loop3A_258] : memref<32000xf32, #tpu.memory_space<vmem>>[vector<16xi32>], vector<16xf32>,
        %parallel_loop3A_305 = arith.constant 256 : i32
        %parallel_loop3A_306 = tpu.memref_slice %arg5[%parallel_loop3A_305] : memref<32768xf32, #tpu.memory_space<vmem>> -> memref<32000xf32, #tpu.memory_space<vmem>>
        %parallel_loop3A_307 = tpu.vector_load_idx %parallel_loop3A_306[%parallel_loop3A_265] : memref<32000xf32, #tpu.memory_space<vmem>>[vector<16xi32>], vector<16xf32>,
        %parallel_loop3A_308 = arith.constant 256 : i32
        %parallel_loop3A_309 = tpu.memref_slice %arg5[%parallel_loop3A_308] : memref<32768xf32, #tpu.memory_space<vmem>> -> memref<32000xf32, #tpu.memory_space<vmem>>
        %parallel_loop3A_310 = tpu.vector_load_idx %parallel_loop3A_309[%parallel_loop3A_272] : memref<32000xf32, #tpu.memory_space<vmem>>[vector<16xi32>], vector<16xf32>,
        %parallel_loop3A_311 = arith.mulf %parallel_loop3A_174, %parallel_loop3A_301 : vector<16xf32>
        %parallel_loop3A_312 = arith.mulf %parallel_loop3A_182, %parallel_loop3A_304 : vector<16xf32>
        %parallel_loop3A_313 = arith.addf %parallel_loop3A_311, %parallel_loop3A_312 : vector<16xf32>
        %parallel_loop3A_314 = arith.mulf %parallel_loop3A_190, %parallel_loop3A_307 : vector<16xf32>
        %parallel_loop3A_315 = arith.addf %parallel_loop3A_313, %parallel_loop3A_314 : vector<16xf32>
        %parallel_loop3A_316 = arith.mulf %parallel_loop3A_198, %parallel_loop3A_310 : vector<16xf32>
        %parallel_loop3A_317 = arith.addf %parallel_loop3A_315, %parallel_loop3A_316 : vector<16xf32>
        %parallel_loop3A_318 = arith.constant 1 : i32
        %parallel_loop3A_319 = vector.broadcast %parallel_loop3A_318 : i32 to vector<16xi32>
        %parallel_loop3A_320 = arith.addi %parallel_loop3A_169, %parallel_loop3A_319 : vector<16xi32>
        %parallel_loop3A_321 = arith.constant 0 : i32
        %parallel_loop3A_322 = arith.constant 0 : i32
        %parallel_loop3A_323 = tpu.memref_slice %arg7[%parallel_loop3A_89, %parallel_loop3A_321, %parallel_loop3A_322] : memref<2x16x1024xf32, #tpu.memory_space<vmem>> -> memref<1x16x1024xf32, #tpu.memory_space<vmem>>
        %parallel_loop3A_324 = tpu.memref_squeeze %parallel_loop3A_323 : memref<1x16x1024xf32, #tpu.memory_space<vmem>> -> memref<16x1024xf32, #tpu.memory_space<vmem>>
        tpu.vector_store_idx %parallel_loop3A_324[%parallel_loop3A_165, %parallel_loop3A_320], %parallel_loop3A_317 : memref<16x1024xf32, #tpu.memory_space<vmem>>[vector<16xi32>, vector<16xi32>], vector<16xf32>,
        %parallel_loop3A_325 = arith.constant 512 : i32
        %parallel_loop3A_326 = tpu.memref_slice %arg5[%parallel_loop3A_325] : memref<32768xf32, #tpu.memory_space<vmem>> -> memref<32000xf32, #tpu.memory_space<vmem>>
        %parallel_loop3A_327 = tpu.vector_load_idx %parallel_loop3A_326[%parallel_loop3A_251] : memref<32000xf32, #tpu.memory_space<vmem>>[vector<16xi32>], vector<16xf32>,
        %parallel_loop3A_328 = arith.constant 512 : i32
        %parallel_loop3A_329 = tpu.memref_slice %arg5[%parallel_loop3A_328] : memref<32768xf32, #tpu.memory_space<vmem>> -> memref<32000xf32, #tpu.memory_space<vmem>>
        %parallel_loop3A_330 = tpu.vector_load_idx %parallel_loop3A_329[%parallel_loop3A_258] : memref<32000xf32, #tpu.memory_space<vmem>>[vector<16xi32>], vector<16xf32>,
        %parallel_loop3A_331 = arith.constant 512 : i32
        %parallel_loop3A_332 = tpu.memref_slice %arg5[%parallel_loop3A_331] : memref<32768xf32, #tpu.memory_space<vmem>> -> memref<32000xf32, #tpu.memory_space<vmem>>
        %parallel_loop3A_333 = tpu.vector_load_idx %parallel_loop3A_332[%parallel_loop3A_265] : memref<32000xf32, #tpu.memory_space<vmem>>[vector<16xi32>], vector<16xf32>,
        %parallel_loop3A_334 = arith.constant 512 : i32
        %parallel_loop3A_335 = tpu.memref_slice %arg5[%parallel_loop3A_334] : memref<32768xf32, #tpu.memory_space<vmem>> -> memref<32000xf32, #tpu.memory_space<vmem>>
        %parallel_loop3A_336 = tpu.vector_load_idx %parallel_loop3A_335[%parallel_loop3A_272] : memref<32000xf32, #tpu.memory_space<vmem>>[vector<16xi32>], vector<16xf32>,
        %parallel_loop3A_337 = arith.mulf %parallel_loop3A_174, %parallel_loop3A_327 : vector<16xf32>
        %parallel_loop3A_338 = arith.mulf %parallel_loop3A_182, %parallel_loop3A_330 : vector<16xf32>
        %parallel_loop3A_339 = arith.addf %parallel_loop3A_337, %parallel_loop3A_338 : vector<16xf32>
        %parallel_loop3A_340 = arith.mulf %parallel_loop3A_190, %parallel_loop3A_333 : vector<16xf32>
        %parallel_loop3A_341 = arith.addf %parallel_loop3A_339, %parallel_loop3A_340 : vector<16xf32>
        %parallel_loop3A_342 = arith.mulf %parallel_loop3A_198, %parallel_loop3A_336 : vector<16xf32>
        %parallel_loop3A_343 = arith.addf %parallel_loop3A_341, %parallel_loop3A_342 : vector<16xf32>
        %parallel_loop3A_344 = arith.constant 2 : i32
        %parallel_loop3A_345 = vector.broadcast %parallel_loop3A_344 : i32 to vector<16xi32>
        %parallel_loop3A_346 = arith.addi %parallel_loop3A_169, %parallel_loop3A_345 : vector<16xi32>
        %parallel_loop3A_347 = arith.constant 0 : i32
        %parallel_loop3A_348 = arith.constant 0 : i32
        %parallel_loop3A_349 = tpu.memref_slice %arg7[%parallel_loop3A_89, %parallel_loop3A_347, %parallel_loop3A_348] : memref<2x16x1024xf32, #tpu.memory_space<vmem>> -> memref<1x16x1024xf32, #tpu.memory_space<vmem>>
        %parallel_loop3A_350 = tpu.memref_squeeze %parallel_loop3A_349 : memref<1x16x1024xf32, #tpu.memory_space<vmem>> -> memref<16x1024xf32, #tpu.memory_space<vmem>>
        tpu.vector_store_idx %parallel_loop3A_350[%parallel_loop3A_165, %parallel_loop3A_346], %parallel_loop3A_343 : memref<16x1024xf32, #tpu.memory_space<vmem>>[vector<16xi32>, vector<16xi32>], vector<16xf32>,
        %parallel_loop3A_351 = arith.constant 768 : i32
        %parallel_loop3A_352 = tpu.memref_slice %arg5[%parallel_loop3A_351] : memref<32768xf32, #tpu.memory_space<vmem>> -> memref<32000xf32, #tpu.memory_space<vmem>>
        %parallel_loop3A_353 = tpu.vector_load_idx %parallel_loop3A_352[%parallel_loop3A_251] : memref<32000xf32, #tpu.memory_space<vmem>>[vector<16xi32>], vector<16xf32>,
        %parallel_loop3A_354 = arith.constant 768 : i32
        %parallel_loop3A_355 = tpu.memref_slice %arg5[%parallel_loop3A_354] : memref<32768xf32, #tpu.memory_space<vmem>> -> memref<32000xf32, #tpu.memory_space<vmem>>
        %parallel_loop3A_356 = tpu.vector_load_idx %parallel_loop3A_355[%parallel_loop3A_258] : memref<32000xf32, #tpu.memory_space<vmem>>[vector<16xi32>], vector<16xf32>,
        %parallel_loop3A_357 = arith.constant 768 : i32
        %parallel_loop3A_358 = tpu.memref_slice %arg5[%parallel_loop3A_357] : memref<32768xf32, #tpu.memory_space<vmem>> -> memref<32000xf32, #tpu.memory_space<vmem>>
        %parallel_loop3A_359 = tpu.vector_load_idx %parallel_loop3A_358[%parallel_loop3A_265] : memref<32000xf32, #tpu.memory_space<vmem>>[vector<16xi32>], vector<16xf32>,
        %parallel_loop3A_360 = arith.constant 768 : i32
        %parallel_loop3A_361 = tpu.memref_slice %arg5[%parallel_loop3A_360] : memref<32768xf32, #tpu.memory_space<vmem>> -> memref<32000xf32, #tpu.memory_space<vmem>>
        %parallel_loop3A_362 = tpu.vector_load_idx %parallel_loop3A_361[%parallel_loop3A_272] : memref<32000xf32, #tpu.memory_space<vmem>>[vector<16xi32>], vector<16xf32>,
        %parallel_loop3A_363 = arith.mulf %parallel_loop3A_174, %parallel_loop3A_353 : vector<16xf32>
        %parallel_loop3A_364 = arith.mulf %parallel_loop3A_182, %parallel_loop3A_356 : vector<16xf32>
        %parallel_loop3A_365 = arith.addf %parallel_loop3A_363, %parallel_loop3A_364 : vector<16xf32>
        %parallel_loop3A_366 = arith.mulf %parallel_loop3A_190, %parallel_loop3A_359 : vector<16xf32>
        %parallel_loop3A_367 = arith.addf %parallel_loop3A_365, %parallel_loop3A_366 : vector<16xf32>
        %parallel_loop3A_368 = arith.mulf %parallel_loop3A_198, %parallel_loop3A_362 : vector<16xf32>
        %parallel_loop3A_369 = arith.addf %parallel_loop3A_367, %parallel_loop3A_368 : vector<16xf32>
        %parallel_loop3A_370 = arith.constant 3 : i32
        %parallel_loop3A_371 = vector.broadcast %parallel_loop3A_370 : i32 to vector<16xi32>
        %parallel_loop3A_372 = arith.addi %parallel_loop3A_169, %parallel_loop3A_371 : vector<16xi32>
        %parallel_loop3A_373 = arith.constant 0 : i32
        %parallel_loop3A_374 = arith.constant 0 : i32
        %parallel_loop3A_375 = tpu.memref_slice %arg7[%parallel_loop3A_89, %parallel_loop3A_373, %parallel_loop3A_374] : memref<2x16x1024xf32, #tpu.memory_space<vmem>> -> memref<1x16x1024xf32, #tpu.memory_space<vmem>>
        %parallel_loop3A_376 = tpu.memref_squeeze %parallel_loop3A_375 : memref<1x16x1024xf32, #tpu.memory_space<vmem>> -> memref<16x1024xf32, #tpu.memory_space<vmem>>
        tpu.vector_store_idx %parallel_loop3A_376[%parallel_loop3A_165, %parallel_loop3A_372], %parallel_loop3A_369 : memref<16x1024xf32, #tpu.memory_space<vmem>>[vector<16xi32>, vector<16xi32>], vector<16xf32>,
      } {sc.loop_unroll_factor = 3 : i64, sc.parallel_access}
      %mul3A_90 = arith.constant 16 : i32
      %mul3A_91 = arith.muli %add3A_61, %mul3A_90 : i32
      %add3A_92 = arith.addi %mul3A_2, %mul3A_91 : i32
      %dma_start3A_93 = arith.constant 0 : i32
      %dma_start3A_94 = arith.constant 0 : i32
      %dma_start3A_95 = arith.constant 0 : i32
      %dma_start3A_96 = tpu.memref_slice %arg7[%dma_start3A_93, %dma_start3A_94, %dma_start3A_95] : memref<2x16x1024xf32, #tpu.memory_space<vmem>> -> memref<1x16x1024xf32, #tpu.memory_space<vmem>>
      %dma_start3A_97 = tpu.memref_squeeze %dma_start3A_96 : memref<1x16x1024xf32, #tpu.memory_space<vmem>> -> memref<16x1024xf32, #tpu.memory_space<vmem>>
      %dma_start3A_98 = arith.constant 0 : i32
      %dma_start3A_99 = tpu.memref_slice %arg4[%add3A_92, %dma_start3A_98] : memref<16384x1024xf32, #tpu.memory_space<hbm>> -> memref<16x1024xf32, #tpu.memory_space<hbm>>
      %dma_start3A_100 = arith.constant 0 : i32
      %dma_start3A_101 = tpu.memref_slice %arg4[%add3A_92, %dma_start3A_100] : memref<16384x1024xf32, #tpu.memory_space<hbm>> -> memref<16x1024xf32, #tpu.memory_space<hbm>>
      %dma_start3A_102 = arith.constant 0 : i32
      %dma_start3A_103 = arith.constant 0 : i32
      %dma_start3A_104 = tpu.memref_slice %arg7[%dma_start3A_93, %dma_start3A_102, %dma_start3A_103] : memref<2x16x1024xf32, #tpu.memory_space<vmem>> -> memref<1x16x1024xf32, #tpu.memory_space<vmem>>
      %dma_start3A_105 = tpu.memref_squeeze %dma_start3A_104 : memref<1x16x1024xf32, #tpu.memory_space<vmem>> -> memref<16x1024xf32, #tpu.memory_space<vmem>>
      tpu.enqueue_dma source(%dma_start3A_105 : memref<16x1024xf32, #tpu.memory_space<vmem>>) target(%dma_start3A_101 : memref<16x1024xf32, #tpu.memory_space<hbm>>) target_semaphore(%arg10 : memref<!tpu.dma_semaphore, #tpu.memory_space<semaphore_mem>>)
      %mul3A_106 = arith.constant 2 : i32
      %mul3A_107 = arith.muli %scan3A_57, %mul3A_106 : i32
      %add3A_108 = arith.constant 1 : i32
      %add3A_109 = arith.addi %mul3A_107, %add3A_108 : i32
      %mul3A_110 = arith.constant 16 : i32
      %mul3A_111 = arith.muli %add3A_109, %mul3A_110 : i32
      %add3A_112 = arith.addi %mul3A_2, %mul3A_111 : i32
      %dma_wait3A_113 = arith.constant 1 : i32
      %dma_wait3A_114 = arith.constant 0 : i32
      %dma_wait3A_115 = arith.constant 0 : i32
      %dma_wait3A_116 = tpu.memref_slice %arg6[%dma_wait3A_113, %dma_wait3A_114, %dma_wait3A_115] : memref<2x16x1024xf32, #tpu.memory_space<vmem>> -> memref<1x16x1024xf32, #tpu.memory_space<vmem>>
      %dma_wait3A_117 = tpu.memref_squeeze %dma_wait3A_116 : memref<1x16x1024xf32, #tpu.memory_space<vmem>> -> memref<16x1024xf32, #tpu.memory_space<vmem>>
      %dma_wait3A_118 = arith.constant 0 : i32
      %dma_wait3A_119 = tpu.memref_slice %arg2[%add3A_112, %dma_wait3A_118] : memref<16384x1024xf32, #tpu.memory_space<hbm>> -> memref<16x1024xf32, #tpu.memory_space<hbm>>
      %dma_wait3A_120 = arith.constant 0 : i32
      %dma_wait3A_121 = arith.constant 0 : i32
      %dma_wait3A_122 = tpu.memref_slice %arg6[%dma_wait3A_113, %dma_wait3A_120, %dma_wait3A_121] : memref<2x16x1024xf32, #tpu.memory_space<vmem>> -> memref<1x16x1024xf32, #tpu.memory_space<vmem>>
      %dma_wait3A_123 = tpu.memref_squeeze %dma_wait3A_122 : memref<1x16x1024xf32, #tpu.memory_space<vmem>> -> memref<16x1024xf32, #tpu.memory_space<vmem>>
      %dma_wait3A_124 = arith.constant 0 : i32
      %dma_wait3A_125 = tpu.memref_slice %arg2[%add3A_112, %dma_wait3A_124] : memref<16384x1024xf32, #tpu.memory_space<hbm>> -> memref<16x1024xf32, #tpu.memory_space<hbm>>
      tpu.wait_dma2 semaphore(%arg9 : memref<!tpu.dma_semaphore, #tpu.memory_space<semaphore_mem>>) src(%dma_wait3A_125 : memref<16x1024xf32, #tpu.memory_space<hbm>>) dst(%dma_wait3A_123 : memref<16x1024xf32, #tpu.memory_space<vmem>>)
      %add3A_126 = arith.constant 1 : i32
      %add3A_127 = arith.addi %add3A_109, %add3A_126 : i32
      %lt3A_128 = arith.constant 32 : i32
      %lt3A_129 = arith.cmpi slt, %add3A_127, %lt3A_128 : i32
      %convert_element_type3A_130 = arith.extui %lt3A_129 : i1 to i32
      %cond3A_131 = arith.constant 0 : i32
      %cond3A_132 = arith.cmpi ne, %convert_element_type3A_130, %cond3A_131 : i32
      scf.if %cond3A_132 {
        %add3A_159 = arith.constant 1 : i32
        %add3A_160 = arith.addi %add3A_109, %add3A_159 : i32
        %mul3A_161 = arith.constant 16 : i32
        %mul3A_162 = arith.muli %add3A_160, %mul3A_161 : i32
        %add3A_163 = arith.addi %mul3A_2, %mul3A_162 : i32
        %dma_start3A_164 = arith.constant 0 : i32
        %dma_start3A_165 = arith.constant 0 : i32
        %dma_start3A_166 = arith.constant 0 : i32
        %dma_start3A_167 = tpu.memref_slice %arg6[%dma_start3A_164, %dma_start3A_165, %dma_start3A_166] : memref<2x16x1024xf32, #tpu.memory_space<vmem>> -> memref<1x16x1024xf32, #tpu.memory_space<vmem>>
        %dma_start3A_168 = tpu.memref_squeeze %dma_start3A_167 : memref<1x16x1024xf32, #tpu.memory_space<vmem>> -> memref<16x1024xf32, #tpu.memory_space<vmem>>
        %dma_start3A_169 = arith.constant 0 : i32
        %dma_start3A_170 = tpu.memref_slice %arg2[%add3A_163, %dma_start3A_169] : memref<16384x1024xf32, #tpu.memory_space<hbm>> -> memref<16x1024xf32, #tpu.memory_space<hbm>>
        %dma_start3A_171 = arith.constant 0 : i32
        %dma_start3A_172 = arith.constant 0 : i32
        %dma_start3A_173 = tpu.memref_slice %arg6[%dma_start3A_164, %dma_start3A_171, %dma_start3A_172] : memref<2x16x1024xf32, #tpu.memory_space<vmem>> -> memref<1x16x1024xf32, #tpu.memory_space<vmem>>
        %dma_start3A_174 = tpu.memref_squeeze %dma_start3A_173 : memref<1x16x1024xf32, #tpu.memory_space<vmem>> -> memref<16x1024xf32, #tpu.memory_space<vmem>>
        %dma_start3A_175 = arith.constant 0 : i32
        %dma_start3A_176 = tpu.memref_slice %arg2[%add3A_163, %dma_start3A_175] : memref<16384x1024xf32, #tpu.memory_space<hbm>> -> memref<16x1024xf32, #tpu.memory_space<hbm>>
        tpu.enqueue_dma source(%dma_start3A_176 : memref<16x1024xf32, #tpu.memory_space<hbm>>) target(%dma_start3A_174 : memref<16x1024xf32, #tpu.memory_space<vmem>>) target_semaphore(%arg8 : memref<!tpu.dma_semaphore, #tpu.memory_space<semaphore_mem>>)
      } else {
      }
      %ge3A_133 = arith.constant 2 : i32
      %ge3A_134 = arith.cmpi sge, %add3A_109, %ge3A_133 : i32
      %convert_element_type3A_135 = arith.extui %ge3A_134 : i1 to i32
      %cond3A_136 = arith.constant 0 : i32
      %cond3A_137 = arith.cmpi ne, %convert_element_type3A_135, %cond3A_136 : i32
      scf.if %cond3A_137 {
        %sub3A = arith.constant 2 : i32
        %sub3A_159 = arith.subi %add3A_109, %sub3A : i32
        %mul3A_160 = arith.constant 16 : i32
        %mul3A_161 = arith.muli %sub3A_159, %mul3A_160 : i32
        %add3A_162 = arith.addi %mul3A_2, %mul3A_161 : i32
        %dma_wait3A_163 = arith.constant 1 : i32
        %dma_wait3A_164 = arith.constant 0 : i32
        %dma_wait3A_165 = arith.constant 0 : i32
        %dma_wait3A_166 = tpu.memref_slice %arg7[%dma_wait3A_163, %dma_wait3A_164, %dma_wait3A_165] : memref<2x16x1024xf32, #tpu.memory_space<vmem>> -> memref<1x16x1024xf32, #tpu.memory_space<vmem>>
        %dma_wait3A_167 = tpu.memref_squeeze %dma_wait3A_166 : memref<1x16x1024xf32, #tpu.memory_space<vmem>> -> memref<16x1024xf32, #tpu.memory_space<vmem>>
        %dma_wait3A_168 = arith.constant 0 : i32
        %dma_wait3A_169 = tpu.memref_slice %arg4[%add3A_162, %dma_wait3A_168] : memref<16384x1024xf32, #tpu.memory_space<hbm>> -> memref<16x1024xf32, #tpu.memory_space<hbm>>
        %dma_wait3A_170 = arith.constant 0 : i32
        %dma_wait3A_171 = tpu.memref_slice %arg4[%add3A_162, %dma_wait3A_170] : memref<16384x1024xf32, #tpu.memory_space<hbm>> -> memref<16x1024xf32, #tpu.memory_space<hbm>>
        %dma_wait3A_172 = arith.constant 0 : i32
        %dma_wait3A_173 = arith.constant 0 : i32
        %dma_wait3A_174 = tpu.memref_slice %arg7[%dma_wait3A_163, %dma_wait3A_172, %dma_wait3A_173] : memref<2x16x1024xf32, #tpu.memory_space<vmem>> -> memref<1x16x1024xf32, #tpu.memory_space<vmem>>
        %dma_wait3A_175 = tpu.memref_squeeze %dma_wait3A_174 : memref<1x16x1024xf32, #tpu.memory_space<vmem>> -> memref<16x1024xf32, #tpu.memory_space<vmem>>
        tpu.wait_dma2 semaphore(%arg11 : memref<!tpu.dma_semaphore, #tpu.memory_space<semaphore_mem>>) src(%dma_wait3A_175 : memref<16x1024xf32, #tpu.memory_space<vmem>>) dst(%dma_wait3A_171 : memref<16x1024xf32, #tpu.memory_space<hbm>>)
      } else {
      }
      %parallel_loop3A_138 = arith.constant 0 : i32
      %parallel_loop3A_139 = arith.constant 256 : i32
      %parallel_loop3A_140 = arith.constant 1 : i32
      %parallel_loop3A_141 = arith.constant 1 : i32
      %parallel_loop3A_142 = arith.constant 1 : i32
      scf.for %parallel_loop3A_159 = %parallel_loop3A_138 to %parallel_loop3A_139 step %parallel_loop3A_140  : i32 {
        %parallel_loop3A_160 = arith.constant 4 : i32
        %parallel_loop3A_161 = arith.shrsi %parallel_loop3A_159, %parallel_loop3A_160 : i32
        %parallel_loop3A_162 = arith.constant 15 : i32
        %parallel_loop3A_163 = arith.andi %parallel_loop3A_159, %parallel_loop3A_162 : i32
        %parallel_loop3A_164 = vector.broadcast %parallel_loop3A_161 : i32 to vector<16xi32>
        %parallel_loop3A_165 = arith.addi %broadcast_in_dim3A_8, %parallel_loop3A_164 : vector<16xi32>
        %parallel_loop3A_166 = arith.constant 64 : i32
        %parallel_loop3A_167 = arith.muli %parallel_loop3A_163, %parallel_loop3A_166 : i32
        %parallel_loop3A_168 = vector.broadcast %parallel_loop3A_167 : i32 to vector<16xi32>
        %parallel_loop3A_169 = arith.addi %mul3A_5, %parallel_loop3A_168 : vector<16xi32>
        %parallel_loop3A_170 = arith.constant 0 : i32
        %parallel_loop3A_171 = arith.constant 0 : i32
        %parallel_loop3A_172 = tpu.memref_slice %arg6[%parallel_loop3A_141, %parallel_loop3A_170, %parallel_loop3A_171] : memref<2x16x1024xf32, #tpu.memory_space<vmem>> -> memref<1x16x1024xf32, #tpu.memory_space<vmem>>
        %parallel_loop3A_173 = tpu.memref_squeeze %parallel_loop3A_172 : memref<1x16x1024xf32, #tpu.memory_space<vmem>> -> memref<16x1024xf32, #tpu.memory_space<vmem>>
        %parallel_loop3A_174 = tpu.vector_load_idx %parallel_loop3A_173[%parallel_loop3A_165, %parallel_loop3A_169] : memref<16x1024xf32, #tpu.memory_space<vmem>>[vector<16xi32>, vector<16xi32>], vector<16xf32>,
        %parallel_loop3A_175 = arith.constant 1 : i32
        %parallel_loop3A_176 = vector.broadcast %parallel_loop3A_175 : i32 to vector<16xi32>
        %parallel_loop3A_177 = arith.addi %parallel_loop3A_169, %parallel_loop3A_176 : vector<16xi32>
        %parallel_loop3A_178 = arith.constant 0 : i32
        %parallel_loop3A_179 = arith.constant 0 : i32
        %parallel_loop3A_180 = tpu.memref_slice %arg6[%parallel_loop3A_141, %parallel_loop3A_178, %parallel_loop3A_179] : memref<2x16x1024xf32, #tpu.memory_space<vmem>> -> memref<1x16x1024xf32, #tpu.memory_space<vmem>>
        %parallel_loop3A_181 = tpu.memref_squeeze %parallel_loop3A_180 : memref<1x16x1024xf32, #tpu.memory_space<vmem>> -> memref<16x1024xf32, #tpu.memory_space<vmem>>
        %parallel_loop3A_182 = tpu.vector_load_idx %parallel_loop3A_181[%parallel_loop3A_165, %parallel_loop3A_177] : memref<16x1024xf32, #tpu.memory_space<vmem>>[vector<16xi32>, vector<16xi32>], vector<16xf32>,
        %parallel_loop3A_183 = arith.constant 2 : i32
        %parallel_loop3A_184 = vector.broadcast %parallel_loop3A_183 : i32 to vector<16xi32>
        %parallel_loop3A_185 = arith.addi %parallel_loop3A_169, %parallel_loop3A_184 : vector<16xi32>
        %parallel_loop3A_186 = arith.constant 0 : i32
        %parallel_loop3A_187 = arith.constant 0 : i32
        %parallel_loop3A_188 = tpu.memref_slice %arg6[%parallel_loop3A_141, %parallel_loop3A_186, %parallel_loop3A_187] : memref<2x16x1024xf32, #tpu.memory_space<vmem>> -> memref<1x16x1024xf32, #tpu.memory_space<vmem>>
        %parallel_loop3A_189 = tpu.memref_squeeze %parallel_loop3A_188 : memref<1x16x1024xf32, #tpu.memory_space<vmem>> -> memref<16x1024xf32, #tpu.memory_space<vmem>>
        %parallel_loop3A_190 = tpu.vector_load_idx %parallel_loop3A_189[%parallel_loop3A_165, %parallel_loop3A_185] : memref<16x1024xf32, #tpu.memory_space<vmem>>[vector<16xi32>, vector<16xi32>], vector<16xf32>,
        %parallel_loop3A_191 = arith.constant 3 : i32
        %parallel_loop3A_192 = vector.broadcast %parallel_loop3A_191 : i32 to vector<16xi32>
        %parallel_loop3A_193 = arith.addi %parallel_loop3A_169, %parallel_loop3A_192 : vector<16xi32>
        %parallel_loop3A_194 = arith.constant 0 : i32
        %parallel_loop3A_195 = arith.constant 0 : i32
        %parallel_loop3A_196 = tpu.memref_slice %arg6[%parallel_loop3A_141, %parallel_loop3A_194, %parallel_loop3A_195] : memref<2x16x1024xf32, #tpu.memory_space<vmem>> -> memref<1x16x1024xf32, #tpu.memory_space<vmem>>
        %parallel_loop3A_197 = tpu.memref_squeeze %parallel_loop3A_196 : memref<1x16x1024xf32, #tpu.memory_space<vmem>> -> memref<16x1024xf32, #tpu.memory_space<vmem>>
        %parallel_loop3A_198 = tpu.vector_load_idx %parallel_loop3A_197[%parallel_loop3A_165, %parallel_loop3A_193] : memref<16x1024xf32, #tpu.memory_space<vmem>>[vector<16xi32>, vector<16xi32>], vector<16xf32>,
        %parallel_loop3A_199 = arith.cmpf oge, %parallel_loop3A_182, %parallel_loop3A_174 : vector<16xf32>
        %parallel_loop3A_200 = arith.select %parallel_loop3A_199, %broadcast_in_dim3A_6, %broadcast_in_dim3A_8 : vector<16xi1>, vector<16xi32>
        %parallel_loop3A_201 = arith.cmpf oge, %parallel_loop3A_190, %parallel_loop3A_174 : vector<16xf32>
        %parallel_loop3A_202 = arith.select %parallel_loop3A_201, %broadcast_in_dim3A_6, %broadcast_in_dim3A_8 : vector<16xi1>, vector<16xi32>
        %parallel_loop3A_203 = arith.cmpf oge, %parallel_loop3A_198, %parallel_loop3A_174 : vector<16xf32>
        %parallel_loop3A_204 = arith.select %parallel_loop3A_203, %broadcast_in_dim3A_6, %broadcast_in_dim3A_8 : vector<16xi1>, vector<16xi32>
        %parallel_loop3A_205 = arith.cmpf oge, %parallel_loop3A_190, %parallel_loop3A_182 : vector<16xf32>
        %parallel_loop3A_206 = arith.select %parallel_loop3A_205, %broadcast_in_dim3A_6, %broadcast_in_dim3A_8 : vector<16xi1>, vector<16xi32>
        %parallel_loop3A_207 = arith.cmpf oge, %parallel_loop3A_198, %parallel_loop3A_182 : vector<16xf32>
        %parallel_loop3A_208 = arith.select %parallel_loop3A_207, %broadcast_in_dim3A_6, %broadcast_in_dim3A_8 : vector<16xi1>, vector<16xi32>
        %parallel_loop3A_209 = arith.cmpf oge, %parallel_loop3A_198, %parallel_loop3A_190 : vector<16xf32>
        %parallel_loop3A_210 = arith.select %parallel_loop3A_209, %broadcast_in_dim3A_6, %broadcast_in_dim3A_8 : vector<16xi1>, vector<16xi32>
        %parallel_loop3A_211 = arith.constant 2 : i32
        %parallel_loop3A_212 = vector.broadcast %parallel_loop3A_211 : i32 to vector<16xi32>
        %parallel_loop3A_213 = arith.muli %parallel_loop3A_206, %parallel_loop3A_212 : vector<16xi32>
        %parallel_loop3A_214 = arith.constant 2 : i32
        %parallel_loop3A_215 = vector.broadcast %parallel_loop3A_214 : i32 to vector<16xi32>
        %parallel_loop3A_216 = arith.muli %parallel_loop3A_208, %parallel_loop3A_215 : vector<16xi32>
        %parallel_loop3A_217 = arith.constant 4 : i32
        %parallel_loop3A_218 = vector.broadcast %parallel_loop3A_217 : i32 to vector<16xi32>
        %parallel_loop3A_219 = arith.muli %parallel_loop3A_210, %parallel_loop3A_218 : vector<16xi32>
        %parallel_loop3A_220 = arith.constant 2 : i32
        %parallel_loop3A_221 = vector.broadcast %parallel_loop3A_220 : i32 to vector<16xi32>
        %parallel_loop3A_222 = arith.muli %parallel_loop3A_202, %parallel_loop3A_221 : vector<16xi32>
        %parallel_loop3A_223 = arith.addi %parallel_loop3A_200, %parallel_loop3A_222 : vector<16xi32>
        %parallel_loop3A_224 = arith.constant 4 : i32
        %parallel_loop3A_225 = vector.broadcast %parallel_loop3A_224 : i32 to vector<16xi32>
        %parallel_loop3A_226 = arith.muli %parallel_loop3A_204, %parallel_loop3A_225 : vector<16xi32>
        %parallel_loop3A_227 = arith.addi %parallel_loop3A_223, %parallel_loop3A_226 : vector<16xi32>
        %parallel_loop3A_228 = arith.subi %broadcast_in_dim3A_6, %parallel_loop3A_200 : vector<16xi32>
        %parallel_loop3A_229 = arith.addi %parallel_loop3A_228, %parallel_loop3A_213 : vector<16xi32>
        %parallel_loop3A_230 = arith.constant 4 : i32
        %parallel_loop3A_231 = vector.broadcast %parallel_loop3A_230 : i32 to vector<16xi32>
        %parallel_loop3A_232 = arith.muli %parallel_loop3A_208, %parallel_loop3A_231 : vector<16xi32>
        %parallel_loop3A_233 = arith.addi %parallel_loop3A_229, %parallel_loop3A_232 : vector<16xi32>
        %parallel_loop3A_234 = arith.constant 3 : i32
        %parallel_loop3A_235 = vector.broadcast %parallel_loop3A_234 : i32 to vector<16xi32>
        %parallel_loop3A_236 = arith.subi %parallel_loop3A_235, %parallel_loop3A_202 : vector<16xi32>
        %parallel_loop3A_237 = arith.subi %parallel_loop3A_236, %parallel_loop3A_213 : vector<16xi32>
        %parallel_loop3A_238 = arith.addi %parallel_loop3A_237, %parallel_loop3A_219 : vector<16xi32>
        %parallel_loop3A_239 = arith.constant 7 : i32
        %parallel_loop3A_240 = vector.broadcast %parallel_loop3A_239 : i32 to vector<16xi32>
        %parallel_loop3A_241 = arith.subi %parallel_loop3A_240, %parallel_loop3A_204 : vector<16xi32>
        %parallel_loop3A_242 = arith.subi %parallel_loop3A_241, %parallel_loop3A_216 : vector<16xi32>
        %parallel_loop3A_243 = arith.subi %parallel_loop3A_242, %parallel_loop3A_219 : vector<16xi32>
        %parallel_loop3A_244 = arith.constant 16 : i32
        %parallel_loop3A_245 = arith.muli %parallel_loop3A_163, %parallel_loop3A_244 : i32
        %parallel_loop3A_246 = vector.broadcast %parallel_loop3A_245 : i32 to vector<16xi32>
        %parallel_loop3A_247 = arith.addi %iota3A, %parallel_loop3A_246 : vector<16xi32>
        %parallel_loop3A_248 = arith.constant 1024 : i32
        %parallel_loop3A_249 = vector.broadcast %parallel_loop3A_248 : i32 to vector<16xi32>
        %parallel_loop3A_250 = arith.muli %parallel_loop3A_227, %parallel_loop3A_249 : vector<16xi32>
        %parallel_loop3A_251 = arith.addi %parallel_loop3A_250, %parallel_loop3A_247 : vector<16xi32>
        %parallel_loop3A_252 = arith.constant 1024 : i32
        %parallel_loop3A_253 = vector.broadcast %parallel_loop3A_252 : i32 to vector<16xi32>
        %parallel_loop3A_254 = arith.muli %parallel_loop3A_233, %parallel_loop3A_253 : vector<16xi32>
        %parallel_loop3A_255 = arith.constant 8192 : i32
        %parallel_loop3A_256 = vector.broadcast %parallel_loop3A_255 : i32 to vector<16xi32>
        %parallel_loop3A_257 = arith.addi %parallel_loop3A_247, %parallel_loop3A_256 : vector<16xi32>
        %parallel_loop3A_258 = arith.addi %parallel_loop3A_254, %parallel_loop3A_257 : vector<16xi32>
        %parallel_loop3A_259 = arith.constant 1024 : i32
        %parallel_loop3A_260 = vector.broadcast %parallel_loop3A_259 : i32 to vector<16xi32>
        %parallel_loop3A_261 = arith.muli %parallel_loop3A_238, %parallel_loop3A_260 : vector<16xi32>
        %parallel_loop3A_262 = arith.constant 16384 : i32
        %parallel_loop3A_263 = vector.broadcast %parallel_loop3A_262 : i32 to vector<16xi32>
        %parallel_loop3A_264 = arith.addi %parallel_loop3A_247, %parallel_loop3A_263 : vector<16xi32>
        %parallel_loop3A_265 = arith.addi %parallel_loop3A_261, %parallel_loop3A_264 : vector<16xi32>
        %parallel_loop3A_266 = arith.constant 1024 : i32
        %parallel_loop3A_267 = vector.broadcast %parallel_loop3A_266 : i32 to vector<16xi32>
        %parallel_loop3A_268 = arith.muli %parallel_loop3A_243, %parallel_loop3A_267 : vector<16xi32>
        %parallel_loop3A_269 = arith.constant 24576 : i32
        %parallel_loop3A_270 = vector.broadcast %parallel_loop3A_269 : i32 to vector<16xi32>
        %parallel_loop3A_271 = arith.addi %parallel_loop3A_247, %parallel_loop3A_270 : vector<16xi32>
        %parallel_loop3A_272 = arith.addi %parallel_loop3A_268, %parallel_loop3A_271 : vector<16xi32>
        %parallel_loop3A_273 = arith.constant 0 : i32
        %parallel_loop3A_274 = tpu.memref_slice %arg5[%parallel_loop3A_273] : memref<32768xf32, #tpu.memory_space<vmem>> -> memref<32000xf32, #tpu.memory_space<vmem>>
        %parallel_loop3A_275 = tpu.vector_load_idx %parallel_loop3A_274[%parallel_loop3A_251] : memref<32000xf32, #tpu.memory_space<vmem>>[vector<16xi32>], vector<16xf32>,
        %parallel_loop3A_276 = arith.constant 0 : i32
        %parallel_loop3A_277 = tpu.memref_slice %arg5[%parallel_loop3A_276] : memref<32768xf32, #tpu.memory_space<vmem>> -> memref<32000xf32, #tpu.memory_space<vmem>>
        %parallel_loop3A_278 = tpu.vector_load_idx %parallel_loop3A_277[%parallel_loop3A_258] : memref<32000xf32, #tpu.memory_space<vmem>>[vector<16xi32>], vector<16xf32>,
        %parallel_loop3A_279 = arith.constant 0 : i32
        %parallel_loop3A_280 = tpu.memref_slice %arg5[%parallel_loop3A_279] : memref<32768xf32, #tpu.memory_space<vmem>> -> memref<32000xf32, #tpu.memory_space<vmem>>
        %parallel_loop3A_281 = tpu.vector_load_idx %parallel_loop3A_280[%parallel_loop3A_265] : memref<32000xf32, #tpu.memory_space<vmem>>[vector<16xi32>], vector<16xf32>,
        %parallel_loop3A_282 = arith.constant 0 : i32
        %parallel_loop3A_283 = tpu.memref_slice %arg5[%parallel_loop3A_282] : memref<32768xf32, #tpu.memory_space<vmem>> -> memref<32000xf32, #tpu.memory_space<vmem>>
        %parallel_loop3A_284 = tpu.vector_load_idx %parallel_loop3A_283[%parallel_loop3A_272] : memref<32000xf32, #tpu.memory_space<vmem>>[vector<16xi32>], vector<16xf32>,
        %parallel_loop3A_285 = arith.mulf %parallel_loop3A_174, %parallel_loop3A_275 : vector<16xf32>
        %parallel_loop3A_286 = arith.mulf %parallel_loop3A_182, %parallel_loop3A_278 : vector<16xf32>
        %parallel_loop3A_287 = arith.addf %parallel_loop3A_285, %parallel_loop3A_286 : vector<16xf32>
        %parallel_loop3A_288 = arith.mulf %parallel_loop3A_190, %parallel_loop3A_281 : vector<16xf32>
        %parallel_loop3A_289 = arith.addf %parallel_loop3A_287, %parallel_loop3A_288 : vector<16xf32>
        %parallel_loop3A_290 = arith.mulf %parallel_loop3A_198, %parallel_loop3A_284 : vector<16xf32>
        %parallel_loop3A_291 = arith.addf %parallel_loop3A_289, %parallel_loop3A_290 : vector<16xf32>
        %parallel_loop3A_292 = arith.constant 0 : i32
        %parallel_loop3A_293 = vector.broadcast %parallel_loop3A_292 : i32 to vector<16xi32>
        %parallel_loop3A_294 = arith.addi %parallel_loop3A_169, %parallel_loop3A_293 : vector<16xi32>
        %parallel_loop3A_295 = arith.constant 0 : i32
        %parallel_loop3A_296 = arith.constant 0 : i32
        %parallel_loop3A_297 = tpu.memref_slice %arg7[%parallel_loop3A_142, %parallel_loop3A_295, %parallel_loop3A_296] : memref<2x16x1024xf32, #tpu.memory_space<vmem>> -> memref<1x16x1024xf32, #tpu.memory_space<vmem>>
        %parallel_loop3A_298 = tpu.memref_squeeze %parallel_loop3A_297 : memref<1x16x1024xf32, #tpu.memory_space<vmem>> -> memref<16x1024xf32, #tpu.memory_space<vmem>>
        tpu.vector_store_idx %parallel_loop3A_298[%parallel_loop3A_165, %parallel_loop3A_294], %parallel_loop3A_291 : memref<16x1024xf32, #tpu.memory_space<vmem>>[vector<16xi32>, vector<16xi32>], vector<16xf32>,
        %parallel_loop3A_299 = arith.constant 256 : i32
        %parallel_loop3A_300 = tpu.memref_slice %arg5[%parallel_loop3A_299] : memref<32768xf32, #tpu.memory_space<vmem>> -> memref<32000xf32, #tpu.memory_space<vmem>>
        %parallel_loop3A_301 = tpu.vector_load_idx %parallel_loop3A_300[%parallel_loop3A_251] : memref<32000xf32, #tpu.memory_space<vmem>>[vector<16xi32>], vector<16xf32>,
        %parallel_loop3A_302 = arith.constant 256 : i32
        %parallel_loop3A_303 = tpu.memref_slice %arg5[%parallel_loop3A_302] : memref<32768xf32, #tpu.memory_space<vmem>> -> memref<32000xf32, #tpu.memory_space<vmem>>
        %parallel_loop3A_304 = tpu.vector_load_idx %parallel_loop3A_303[%parallel_loop3A_258] : memref<32000xf32, #tpu.memory_space<vmem>>[vector<16xi32>], vector<16xf32>,
        %parallel_loop3A_305 = arith.constant 256 : i32
        %parallel_loop3A_306 = tpu.memref_slice %arg5[%parallel_loop3A_305] : memref<32768xf32, #tpu.memory_space<vmem>> -> memref<32000xf32, #tpu.memory_space<vmem>>
        %parallel_loop3A_307 = tpu.vector_load_idx %parallel_loop3A_306[%parallel_loop3A_265] : memref<32000xf32, #tpu.memory_space<vmem>>[vector<16xi32>], vector<16xf32>,
        %parallel_loop3A_308 = arith.constant 256 : i32
        %parallel_loop3A_309 = tpu.memref_slice %arg5[%parallel_loop3A_308] : memref<32768xf32, #tpu.memory_space<vmem>> -> memref<32000xf32, #tpu.memory_space<vmem>>
        %parallel_loop3A_310 = tpu.vector_load_idx %parallel_loop3A_309[%parallel_loop3A_272] : memref<32000xf32, #tpu.memory_space<vmem>>[vector<16xi32>], vector<16xf32>,
        %parallel_loop3A_311 = arith.mulf %parallel_loop3A_174, %parallel_loop3A_301 : vector<16xf32>
        %parallel_loop3A_312 = arith.mulf %parallel_loop3A_182, %parallel_loop3A_304 : vector<16xf32>
        %parallel_loop3A_313 = arith.addf %parallel_loop3A_311, %parallel_loop3A_312 : vector<16xf32>
        %parallel_loop3A_314 = arith.mulf %parallel_loop3A_190, %parallel_loop3A_307 : vector<16xf32>
        %parallel_loop3A_315 = arith.addf %parallel_loop3A_313, %parallel_loop3A_314 : vector<16xf32>
        %parallel_loop3A_316 = arith.mulf %parallel_loop3A_198, %parallel_loop3A_310 : vector<16xf32>
        %parallel_loop3A_317 = arith.addf %parallel_loop3A_315, %parallel_loop3A_316 : vector<16xf32>
        %parallel_loop3A_318 = arith.constant 1 : i32
        %parallel_loop3A_319 = vector.broadcast %parallel_loop3A_318 : i32 to vector<16xi32>
        %parallel_loop3A_320 = arith.addi %parallel_loop3A_169, %parallel_loop3A_319 : vector<16xi32>
        %parallel_loop3A_321 = arith.constant 0 : i32
        %parallel_loop3A_322 = arith.constant 0 : i32
        %parallel_loop3A_323 = tpu.memref_slice %arg7[%parallel_loop3A_142, %parallel_loop3A_321, %parallel_loop3A_322] : memref<2x16x1024xf32, #tpu.memory_space<vmem>> -> memref<1x16x1024xf32, #tpu.memory_space<vmem>>
        %parallel_loop3A_324 = tpu.memref_squeeze %parallel_loop3A_323 : memref<1x16x1024xf32, #tpu.memory_space<vmem>> -> memref<16x1024xf32, #tpu.memory_space<vmem>>
        tpu.vector_store_idx %parallel_loop3A_324[%parallel_loop3A_165, %parallel_loop3A_320], %parallel_loop3A_317 : memref<16x1024xf32, #tpu.memory_space<vmem>>[vector<16xi32>, vector<16xi32>], vector<16xf32>,
        %parallel_loop3A_325 = arith.constant 512 : i32
        %parallel_loop3A_326 = tpu.memref_slice %arg5[%parallel_loop3A_325] : memref<32768xf32, #tpu.memory_space<vmem>> -> memref<32000xf32, #tpu.memory_space<vmem>>
        %parallel_loop3A_327 = tpu.vector_load_idx %parallel_loop3A_326[%parallel_loop3A_251] : memref<32000xf32, #tpu.memory_space<vmem>>[vector<16xi32>], vector<16xf32>,
        %parallel_loop3A_328 = arith.constant 512 : i32
        %parallel_loop3A_329 = tpu.memref_slice %arg5[%parallel_loop3A_328] : memref<32768xf32, #tpu.memory_space<vmem>> -> memref<32000xf32, #tpu.memory_space<vmem>>
        %parallel_loop3A_330 = tpu.vector_load_idx %parallel_loop3A_329[%parallel_loop3A_258] : memref<32000xf32, #tpu.memory_space<vmem>>[vector<16xi32>], vector<16xf32>,
        %parallel_loop3A_331 = arith.constant 512 : i32
        %parallel_loop3A_332 = tpu.memref_slice %arg5[%parallel_loop3A_331] : memref<32768xf32, #tpu.memory_space<vmem>> -> memref<32000xf32, #tpu.memory_space<vmem>>
        %parallel_loop3A_333 = tpu.vector_load_idx %parallel_loop3A_332[%parallel_loop3A_265] : memref<32000xf32, #tpu.memory_space<vmem>>[vector<16xi32>], vector<16xf32>,
        %parallel_loop3A_334 = arith.constant 512 : i32
        %parallel_loop3A_335 = tpu.memref_slice %arg5[%parallel_loop3A_334] : memref<32768xf32, #tpu.memory_space<vmem>> -> memref<32000xf32, #tpu.memory_space<vmem>>
        %parallel_loop3A_336 = tpu.vector_load_idx %parallel_loop3A_335[%parallel_loop3A_272] : memref<32000xf32, #tpu.memory_space<vmem>>[vector<16xi32>], vector<16xf32>,
        %parallel_loop3A_337 = arith.mulf %parallel_loop3A_174, %parallel_loop3A_327 : vector<16xf32>
        %parallel_loop3A_338 = arith.mulf %parallel_loop3A_182, %parallel_loop3A_330 : vector<16xf32>
        %parallel_loop3A_339 = arith.addf %parallel_loop3A_337, %parallel_loop3A_338 : vector<16xf32>
        %parallel_loop3A_340 = arith.mulf %parallel_loop3A_190, %parallel_loop3A_333 : vector<16xf32>
        %parallel_loop3A_341 = arith.addf %parallel_loop3A_339, %parallel_loop3A_340 : vector<16xf32>
        %parallel_loop3A_342 = arith.mulf %parallel_loop3A_198, %parallel_loop3A_336 : vector<16xf32>
        %parallel_loop3A_343 = arith.addf %parallel_loop3A_341, %parallel_loop3A_342 : vector<16xf32>
        %parallel_loop3A_344 = arith.constant 2 : i32
        %parallel_loop3A_345 = vector.broadcast %parallel_loop3A_344 : i32 to vector<16xi32>
        %parallel_loop3A_346 = arith.addi %parallel_loop3A_169, %parallel_loop3A_345 : vector<16xi32>
        %parallel_loop3A_347 = arith.constant 0 : i32
        %parallel_loop3A_348 = arith.constant 0 : i32
        %parallel_loop3A_349 = tpu.memref_slice %arg7[%parallel_loop3A_142, %parallel_loop3A_347, %parallel_loop3A_348] : memref<2x16x1024xf32, #tpu.memory_space<vmem>> -> memref<1x16x1024xf32, #tpu.memory_space<vmem>>
        %parallel_loop3A_350 = tpu.memref_squeeze %parallel_loop3A_349 : memref<1x16x1024xf32, #tpu.memory_space<vmem>> -> memref<16x1024xf32, #tpu.memory_space<vmem>>
        tpu.vector_store_idx %parallel_loop3A_350[%parallel_loop3A_165, %parallel_loop3A_346], %parallel_loop3A_343 : memref<16x1024xf32, #tpu.memory_space<vmem>>[vector<16xi32>, vector<16xi32>], vector<16xf32>,
        %parallel_loop3A_351 = arith.constant 768 : i32
        %parallel_loop3A_352 = tpu.memref_slice %arg5[%parallel_loop3A_351] : memref<32768xf32, #tpu.memory_space<vmem>> -> memref<32000xf32, #tpu.memory_space<vmem>>
        %parallel_loop3A_353 = tpu.vector_load_idx %parallel_loop3A_352[%parallel_loop3A_251] : memref<32000xf32, #tpu.memory_space<vmem>>[vector<16xi32>], vector<16xf32>,
        %parallel_loop3A_354 = arith.constant 768 : i32
        %parallel_loop3A_355 = tpu.memref_slice %arg5[%parallel_loop3A_354] : memref<32768xf32, #tpu.memory_space<vmem>> -> memref<32000xf32, #tpu.memory_space<vmem>>
        %parallel_loop3A_356 = tpu.vector_load_idx %parallel_loop3A_355[%parallel_loop3A_258] : memref<32000xf32, #tpu.memory_space<vmem>>[vector<16xi32>], vector<16xf32>,
        %parallel_loop3A_357 = arith.constant 768 : i32
        %parallel_loop3A_358 = tpu.memref_slice %arg5[%parallel_loop3A_357] : memref<32768xf32, #tpu.memory_space<vmem>> -> memref<32000xf32, #tpu.memory_space<vmem>>
        %parallel_loop3A_359 = tpu.vector_load_idx %parallel_loop3A_358[%parallel_loop3A_265] : memref<32000xf32, #tpu.memory_space<vmem>>[vector<16xi32>], vector<16xf32>,
        %parallel_loop3A_360 = arith.constant 768 : i32
        %parallel_loop3A_361 = tpu.memref_slice %arg5[%parallel_loop3A_360] : memref<32768xf32, #tpu.memory_space<vmem>> -> memref<32000xf32, #tpu.memory_space<vmem>>
        %parallel_loop3A_362 = tpu.vector_load_idx %parallel_loop3A_361[%parallel_loop3A_272] : memref<32000xf32, #tpu.memory_space<vmem>>[vector<16xi32>], vector<16xf32>,
        %parallel_loop3A_363 = arith.mulf %parallel_loop3A_174, %parallel_loop3A_353 : vector<16xf32>
        %parallel_loop3A_364 = arith.mulf %parallel_loop3A_182, %parallel_loop3A_356 : vector<16xf32>
        %parallel_loop3A_365 = arith.addf %parallel_loop3A_363, %parallel_loop3A_364 : vector<16xf32>
        %parallel_loop3A_366 = arith.mulf %parallel_loop3A_190, %parallel_loop3A_359 : vector<16xf32>
        %parallel_loop3A_367 = arith.addf %parallel_loop3A_365, %parallel_loop3A_366 : vector<16xf32>
        %parallel_loop3A_368 = arith.mulf %parallel_loop3A_198, %parallel_loop3A_362 : vector<16xf32>
        %parallel_loop3A_369 = arith.addf %parallel_loop3A_367, %parallel_loop3A_368 : vector<16xf32>
        %parallel_loop3A_370 = arith.constant 3 : i32
        %parallel_loop3A_371 = vector.broadcast %parallel_loop3A_370 : i32 to vector<16xi32>
        %parallel_loop3A_372 = arith.addi %parallel_loop3A_169, %parallel_loop3A_371 : vector<16xi32>
        %parallel_loop3A_373 = arith.constant 0 : i32
        %parallel_loop3A_374 = arith.constant 0 : i32
        %parallel_loop3A_375 = tpu.memref_slice %arg7[%parallel_loop3A_142, %parallel_loop3A_373, %parallel_loop3A_374] : memref<2x16x1024xf32, #tpu.memory_space<vmem>> -> memref<1x16x1024xf32, #tpu.memory_space<vmem>>
        %parallel_loop3A_376 = tpu.memref_squeeze %parallel_loop3A_375 : memref<1x16x1024xf32, #tpu.memory_space<vmem>> -> memref<16x1024xf32, #tpu.memory_space<vmem>>
        tpu.vector_store_idx %parallel_loop3A_376[%parallel_loop3A_165, %parallel_loop3A_372], %parallel_loop3A_369 : memref<16x1024xf32, #tpu.memory_space<vmem>>[vector<16xi32>, vector<16xi32>], vector<16xf32>,
      } {sc.loop_unroll_factor = 3 : i64, sc.parallel_access}
      %mul3A_143 = arith.constant 16 : i32
      %mul3A_144 = arith.muli %add3A_109, %mul3A_143 : i32
      %add3A_145 = arith.addi %mul3A_2, %mul3A_144 : i32
      %dma_start3A_146 = arith.constant 1 : i32
      %dma_start3A_147 = arith.constant 0 : i32
      %dma_start3A_148 = arith.constant 0 : i32
      %dma_start3A_149 = tpu.memref_slice %arg7[%dma_start3A_146, %dma_start3A_147, %dma_start3A_148] : memref<2x16x1024xf32, #tpu.memory_space<vmem>> -> memref<1x16x1024xf32, #tpu.memory_space<vmem>>
      %dma_start3A_150 = tpu.memref_squeeze %dma_start3A_149 : memref<1x16x1024xf32, #tpu.memory_space<vmem>> -> memref<16x1024xf32, #tpu.memory_space<vmem>>
      %dma_start3A_151 = arith.constant 0 : i32
      %dma_start3A_152 = tpu.memref_slice %arg4[%add3A_145, %dma_start3A_151] : memref<16384x1024xf32, #tpu.memory_space<hbm>> -> memref<16x1024xf32, #tpu.memory_space<hbm>>
      %dma_start3A_153 = arith.constant 0 : i32
      %dma_start3A_154 = tpu.memref_slice %arg4[%add3A_145, %dma_start3A_153] : memref<16384x1024xf32, #tpu.memory_space<hbm>> -> memref<16x1024xf32, #tpu.memory_space<hbm>>
      %dma_start3A_155 = arith.constant 0 : i32
      %dma_start3A_156 = arith.constant 0 : i32
      %dma_start3A_157 = tpu.memref_slice %arg7[%dma_start3A_146, %dma_start3A_155, %dma_start3A_156] : memref<2x16x1024xf32, #tpu.memory_space<vmem>> -> memref<1x16x1024xf32, #tpu.memory_space<vmem>>
      %dma_start3A_158 = tpu.memref_squeeze %dma_start3A_157 : memref<1x16x1024xf32, #tpu.memory_space<vmem>> -> memref<16x1024xf32, #tpu.memory_space<vmem>>
      tpu.enqueue_dma source(%dma_start3A_158 : memref<16x1024xf32, #tpu.memory_space<vmem>>) target(%dma_start3A_154 : memref<16x1024xf32, #tpu.memory_space<hbm>>) target_semaphore(%arg11 : memref<!tpu.dma_semaphore, #tpu.memory_space<semaphore_mem>>)
    }
    %scan3A_27 = arith.constant 16 : i32
    %add3A_28 = arith.constant 480 : i32
    %add3A_29 = arith.addi %mul3A_2, %add3A_28 : i32
    %dma_wait3A = arith.constant 0 : i32
    %dma_wait3A_30 = arith.constant 0 : i32
    %dma_wait3A_31 = arith.constant 0 : i32
    %dma_wait3A_32 = tpu.memref_slice %arg7[%dma_wait3A, %dma_wait3A_30, %dma_wait3A_31] : memref<2x16x1024xf32, #tpu.memory_space<vmem>> -> memref<1x16x1024xf32, #tpu.memory_space<vmem>>
    %dma_wait3A_33 = tpu.memref_squeeze %dma_wait3A_32 : memref<1x16x1024xf32, #tpu.memory_space<vmem>> -> memref<16x1024xf32, #tpu.memory_space<vmem>>
    %dma_wait3A_34 = arith.constant 0 : i32
    %dma_wait3A_35 = tpu.memref_slice %arg4[%add3A_29, %dma_wait3A_34] : memref<16384x1024xf32, #tpu.memory_space<hbm>> -> memref<16x1024xf32, #tpu.memory_space<hbm>>
    %dma_wait3A_36 = arith.constant 0 : i32
    %dma_wait3A_37 = tpu.memref_slice %arg4[%add3A_29, %dma_wait3A_36] : memref<16384x1024xf32, #tpu.memory_space<hbm>> -> memref<16x1024xf32, #tpu.memory_space<hbm>>
    %dma_wait3A_38 = arith.constant 0 : i32
    %dma_wait3A_39 = arith.constant 0 : i32
    %dma_wait3A_40 = tpu.memref_slice %arg7[%dma_wait3A, %dma_wait3A_38, %dma_wait3A_39] : memref<2x16x1024xf32, #tpu.memory_space<vmem>> -> memref<1x16x1024xf32, #tpu.memory_space<vmem>>
    %dma_wait3A_41 = tpu.memref_squeeze %dma_wait3A_40 : memref<1x16x1024xf32, #tpu.memory_space<vmem>> -> memref<16x1024xf32, #tpu.memory_space<vmem>>
    tpu.wait_dma2 semaphore(%arg10 : memref<!tpu.dma_semaphore, #tpu.memory_space<semaphore_mem>>) src(%dma_wait3A_41 : memref<16x1024xf32, #tpu.memory_space<vmem>>) dst(%dma_wait3A_37 : memref<16x1024xf32, #tpu.memory_space<hbm>>)
    %add3A_42 = arith.constant 496 : i32
    %add3A_43 = arith.addi %mul3A_2, %add3A_42 : i32
    %dma_wait3A_44 = arith.constant 1 : i32
    %dma_wait3A_45 = arith.constant 0 : i32
    %dma_wait3A_46 = arith.constant 0 : i32
    %dma_wait3A_47 = tpu.memref_slice %arg7[%dma_wait3A_44, %dma_wait3A_45, %dma_wait3A_46] : memref<2x16x1024xf32, #tpu.memory_space<vmem>> -> memref<1x16x1024xf32, #tpu.memory_space<vmem>>
    %dma_wait3A_48 = tpu.memref_squeeze %dma_wait3A_47 : memref<1x16x1024xf32, #tpu.memory_space<vmem>> -> memref<16x1024xf32, #tpu.memory_space<vmem>>
    %dma_wait3A_49 = arith.constant 0 : i32
    %dma_wait3A_50 = tpu.memref_slice %arg4[%add3A_43, %dma_wait3A_49] : memref<16384x1024xf32, #tpu.memory_space<hbm>> -> memref<16x1024xf32, #tpu.memory_space<hbm>>
    %dma_wait3A_51 = arith.constant 0 : i32
    %dma_wait3A_52 = tpu.memref_slice %arg4[%add3A_43, %dma_wait3A_51] : memref<16384x1024xf32, #tpu.memory_space<hbm>> -> memref<16x1024xf32, #tpu.memory_space<hbm>>
    %dma_wait3A_53 = arith.constant 0 : i32
    %dma_wait3A_54 = arith.constant 0 : i32
    %dma_wait3A_55 = tpu.memref_slice %arg7[%dma_wait3A_44, %dma_wait3A_53, %dma_wait3A_54] : memref<2x16x1024xf32, #tpu.memory_space<vmem>> -> memref<1x16x1024xf32, #tpu.memory_space<vmem>>
    %dma_wait3A_56 = tpu.memref_squeeze %dma_wait3A_55 : memref<1x16x1024xf32, #tpu.memory_space<vmem>> -> memref<16x1024xf32, #tpu.memory_space<vmem>>
    tpu.wait_dma2 semaphore(%arg11 : memref<!tpu.dma_semaphore, #tpu.memory_space<semaphore_mem>>) src(%dma_wait3A_56 : memref<16x1024xf32, #tpu.memory_space<vmem>>) dst(%dma_wait3A_52 : memref<16x1024xf32, #tpu.memory_space<hbm>>)
    return
  }
}

</mosaic_0001>

<sc_bundles>
// kernel: kernel.3.cloned.1.call-start
scs
__scs_entry_jumppad:
0x0: {  	(pc) =	sbr.rel $0x88, $3  }
0x1: {  	(tag) =	ssettag $0x0;
	lr =	simm.s32 $0x1  }
0x2: {  	[smem:$0x3F9F] =	sst lr;
	_ =	strace $0xD0000000  }
0x3: {  	_ = 	snop  }
0x4: {  	_ = 	snop  }
0x5: {  	_ = 	snop  }
0x6: {  	_ = 	snop  }
0x7: {  	_ = 	snop  }
__scs_overlays_trampoline_lowered:
0x8: {  	[smem:$0x3FAE] =	sst s0  }
0x9: {  	[smem:$0x3FAF] =	sst s1  }
0xa: {  	[smem:$0x3FB0] =	sst s2  }
0xb: {  	[smem:$0x3FB1] =	sst s3  }
0xc: {  	[smem:$0x3FB2] =	sst s4  }
0xd: {  	[smem:$0x3FB3] =	sst s5  }
0xe: {  	[smem:$0x3FB4] =	sst s6  }
0xf: {  	[smem:$0x3FB5] =	sst s7  }
0x10: {  	[smem:$0x3FB6] =	sst s8  }
0x11: {  	[smem:$0x3FB7] =	sst s9;
	s0 =	simm.s32 @!p0 $0x0  }
0x12: {  	s1 =	sld [smem:$0x3F9D];
	s0 =	simm.s32 @p0 $0x1  }
0x13: {  	[smem:$0x3FB8] =	sst s0;
	s0 =	simm.s32 @!p1 $0x0  }
0x14: {  	s2 =	sld [smem:$0x3F9C];
	s0 =	simm.s32 @p1 $0x1  }
0x15: {  	[smem:$0x3FB9] =	sst s0;
	s0 =	simm.s32 @!p2 $0x0  }
0x16: {  	s3 =	sld [smem:$0x3FDB];
	s0 =	simm.s32 @p2 $0x1  }
0x17: {  	s4 =	simm.s32 $0x1BF5;
	[smem:$0x3FBB] =	sst s0  }
0x18: {  	s0 =	sld [smem:$0x3F9E];
	_ =	swait.ge [sflag:s4], $0x0  }
0x19: {  	s7 =	sld [smem:$0x3F9F]  }
0x1a: {  	s8 =	sadd.s32 $0xFFFFE003, lr  }
0x1b: {  	s9 =	sadd.s32 $0xFFFFFEF7, lr;
	s5 =	simm.s32 $0xFFFFFFFF;
	p2 =	slt.u32 s8, $0xFFFFF086  }
0x1c: {  	p1 =	slt.u32 s9, $0xF7A;
	s5 =	simm.s32 @!p2 $0x0  }
0x1d: {  	s5 =	simm.s32 @p1 $0x1;
	p0 =	seq.s32 s7, s2  }
0x1e: {  	s7 =	smul.u32 @!p0 $0xF7A, s2;
	p2 =	seq.s32 @!p0 s5, $0x0  }
0x1f: {  	s9 =	smul.u32 $0xF7A, s1;
	s8 =	simm.s32 @!p0 $0x1BF5;
	p2 =	por !p2, p0  }
0x20: {  	[sflag:s8] =	ssyncset.s32 @!p0 $0xFFFFF086;
	s6 =	sadd.s32 @!p0 s3, s7;
	s7 =	simm.s32 @!p0 $0x108  }
0x21: {  	s3 =	sadd.s32 s3, s9;
	s6 =	sadd.s32 @!p0 $0x88, s6;
	s7 =	simm.s32 @p2 $0x1082  }
0x22: {  	[simem:s7], [sflag:s8] =	dma.local @!p0 [hbm:s6], $0xF7A  }
0x23: {  	s9 =	sor.u32 $0xD0000000, s2;
	s6 =	simm.s32 $0x108;
	_ =	swait.ge @!p0 [sflag:s8], $0x0  }
0x24: {  	s3 =	sadd.s32 $0x88, s3;
	s6 =	simm.s32 @!p1 $0x1082;
	[sflag:s4] =	ssyncset.s32 $0xFFFFF086  }
0x25: {  	[simem:s6], [sflag:s4] =	dma.local [hbm:s3], $0xF7A  }
0x26: {  	[smem:$0x3F9F] =	sst s1;
	(tag) =	ssettag s2;
	_ =	strace s9  }
0x27: {  	s1 =	sld [smem:$0x3FAF]  }
0x28: {  	s2 =	sld [smem:$0x3FB0]  }
0x29: {  	s4 =	sld [smem:$0x3FB2]  }
0x2a: {  	p0 =	seq.s32 s5, $0x0;
	s5 =	sld [smem:$0x3FB3]  }
0x2b: {  	s6 =	sld [smem:$0x3FB4]  }
0x2c: {  	s7 =	sld [smem:$0x3FB5]  }
0x2d: {  	s3 =	simm.s32 $0x108;
	s8 =	sld [smem:$0x3FB6]  }
0x2e: {  	s3 =	simm.s32 @!p0 $0x1082;
	s9 =	sld [smem:$0x3FB7]  }
0x2f: {  	lr =	sadd.s32 s0, s3;
	s0 =	sld [smem:$0x3FAE]  }
0x30: {  	s3 =	sld [smem:$0x3FB1]  }
0x31: {  	[smem:$0x3FBA] =	sst s10  }
0x32: {  	s10 =	sld [smem:$0x3FB8];
	_ =	sdelay $0x3  }
0x33: {  	p0 =	seq.s32 s10, $0x1;
	s10 =	sld [smem:$0x3FBA];
	_ =	sdelay $0x3  }
0x34: {  	[smem:$0x3FBA] =	sst s10  }
0x35: {  	s10 =	sld [smem:$0x3FB9];
	_ =	sdelay $0x3  }
0x36: {  	p1 =	seq.s32 s10, $0x1;
	s10 =	sld [smem:$0x3FBA];
	_ =	sdelay $0x3  }
0x37: {  	[smem:$0x3FBA] =	sst s10  }
0x38: {  	s10 =	sld [smem:$0x3FBB]  }
0x39: {  	_ = 	snop;
	(pc) =	sbr.ind lr, $3  }
0x3a: {  	_ = 	snop  }
0x3b: {  	_ = 	snop  }
0x3c: {  	p2 =	seq.s32 s10, $0x1;
	s10 =	sld [smem:$0x3FBA]  }
0x3d: {  	_ =	shalt  }
0x3e: {  	_ =	shalt  }
0x3f: {  	_ =	shalt  }
0x40: {  	_ =	shalt  }
0x41: {  	_ =	shalt  }
0x42: {  	_ =	shalt  }
0x43: {  	_ =	shalt  }
0x44: {  	_ =	shalt  }
0x45: {  	_ =	shalt  }
0x46: {  	_ =	shalt  }
0x47: {  	_ =	shalt  }
0x48: {  	_ =	shalt  }
0x49: {  	_ =	shalt  }
0x4a: {  	_ =	shalt  }
0x4b: {  	_ =	shalt  }
0x4c: {  	_ =	shalt  }
0x4d: {  	_ =	shalt  }
0x4e: {  	_ =	shalt  }
0x4f: {  	_ =	shalt  }
0x50: {  	_ =	shalt  }
0x51: {  	_ =	shalt  }
0x52: {  	_ =	shalt  }
0x53: {  	_ =	shalt  }
0x54: {  	_ =	shalt  }
0x55: {  	_ =	shalt  }
0x56: {  	_ =	shalt  }
0x57: {  	_ =	shalt  }
0x58: {  	_ =	shalt  }
0x59: {  	_ =	shalt  }
0x5a: {  	_ =	shalt  }
0x5b: {  	_ =	shalt  }
0x5c: {  	_ =	shalt  }
0x5d: {  	_ =	shalt  }
0x5e: {  	_ =	shalt  }
0x5f: {  	_ =	shalt  }
0x60: {  	_ =	shalt  }
0x61: {  	_ =	shalt  }
0x62: {  	_ =	shalt  }
0x63: {  	_ =	shalt  }
0x64: {  	_ =	shalt  }
0x65: {  	_ =	shalt  }
0x66: {  	_ =	shalt  }
0x67: {  	_ =	shalt  }
0x68: {  	_ =	shalt  }
0x69: {  	_ =	shalt  }
0x6a: {  	_ =	shalt  }
0x6b: {  	_ =	shalt  }
0x6c: {  	_ =	shalt  }
0x6d: {  	_ =	shalt  }
0x6e: {  	_ =	shalt  }
0x6f: {  	_ =	shalt  }
0x70: {  	_ =	shalt  }
0x71: {  	_ =	shalt  }
0x72: {  	_ =	shalt  }
0x73: {  	_ =	shalt  }
0x74: {  	_ =	shalt  }
0x75: {  	_ =	shalt  }
0x76: {  	_ =	shalt  }
0x77: {  	_ =	shalt  }
0x78: {  	_ =	shalt  }
0x79: {  	_ =	shalt  }
0x7a: {  	_ =	shalt  }
0x7b: {  	_ =	shalt  }
0x7c: {  	_ =	shalt  }
0x7d: {  	_ =	shalt  }
0x7e: {  	_ =	shalt  }
0x7f: {  	_ =	shalt  }
0x80: {  	_ =	shalt  }
0x81: {  	_ =	shalt  }
0x82: {  	_ =	shalt  }
0x83: {  	_ =	shalt  }
0x84: {  	_ =	shalt  }
0x85: {  	_ =	shalt  }
0x86: {  	_ =	shalt  }
0x87: {  	_ =	shalt  }
.Lfunc_end0:
.L_simem_size_0:
called_computation_lowered:
.L_overlay_start_0:
0x88: {  	s2 =	sld [smem:$0x3FD9]  }
0x89: {  	s3 =	sld [smem:$0x3FFE];
	_ =	sdelay $0x1  }
0x8a: {  	s1 =	srdreg.scid  }
0x8b: {  	s0 =	sand.u32 $0x1, s1  }
0x8c: {  	s17 =	sshll.u32 s0, $0xA;
	s2 =	sadd.s32 s3, s2  }
0x8d: {  	s2 =	sadd.s32 s2, s17  }
0x8e: {  	[smem:$0x3FC6] =	sst s2  }
0x8f: {  	_ = 	snop  }
0x90: {  	s2 =	sld [smem:$0x3FC9]  }
0x91: {  	s18 =	sld [smem:$0x3FD0];
	(tm) =	ssettm $0x1  }
0x92: {  	s4 =	sld [smem:$0x3FFB];
	_ =	sdelay $0x3  }
0x93: {  	_ =	strace s4  }
0x94: {  	s4 =	sld [smem:$0x3FFC];
	_ =	sdelay $0x3  }
0x95: {  	_ =	strace s4  }
0x96: {  	s4 =	sld [smem:$0x3FFD];
	_ =	sdelay $0x3  }
0x97: {  	_ =	strace s4  }
0x98: {  	_ =	strace $0x8FFFFFFF  }
0x99: {  	s19 =	sld [smem:$0x3FDB];
	_ =	sdelay $0x1  }
0x9a: {  	s5 =	simm.s32 $_scs_section_size  }
0x9b: {  	s6 =	simm.s32 $_size__tile_overlayer_lowered;
	s7 =	simm.s32 $_tile_overlayer_lowered  }
0x9c: {  	s22 =	simm.s32 $0x1BFF;
	s21 =	sshll.u32 s7, $0x1;
	s4 =	sadd.s32 s5, s19  }
0x9d: {  	s8 =	simm.s32 $0x0;
	s20 =	sshll.u32 s6, $0x1;
	s6 =	sadd.s32 s21, s4  }
0x9e: {  	[timem:s8], [sflag:s22] =	dma.local [hbm:s6], s20  }
0x9f: {  	_ =	swait.ge [sflag:s22], s20  }
0xa0: {  	s5 =	ssub.s32 $0x0, s20;
	[sflag:s22] =	ssyncset.done $0x0  }
0xa1: {  	[sflag:s22] =	ssyncadd.s32 s5;
	_ =	sdelay $0x1  }
0xa2: {  	s23 =	simm.s32 $0x1B8B  }
0xa3: {  	_ =	swait.ge [sflag:s23], $0x1  }
0xa4: {  	[sflag:s23] =	ssyncset.done $0x0  }
0xa5: {  	s25 =	simm.s32 $0x1B8E;
	s24 =	sld [smem:$0x3FFE];
	[sflag:s23] =	ssyncadd.s32 $0xFFFFFFFF  }
0xa6: {  	s26 =	simm.s32 $execute0_lowered;
	[smem:$0x3FD2] =	sst s25  }
0xa7: {  	s6 =	sshll.u32 s26, $0x1;
	_ =	strace $0x80000046;
	[dreg:$0x1] =	wrdreg $0xFFFFFFFF  }
0xa8: {  	s28 =	simm.s32 $_size_execute0_lowered;
	s4 =	sadd.s32 s4, s6;
	[dreg:$0x0] =	wrdreg $0x0  }
0xa9: {  	s6 =	sshll.u32 s28, $0x1;
	[dreg:$0x2] =	wrdreg s4  }
0xaa: {  	[dreg:$0x3] =	wrdreg s6  }
0xab: {  	[dreg:$0x4] =	wrdreg $0xC0  }
0xac: {  	_ =	task [dreg:s8], $0x5FFFF  }
0xad: {  	[dreg:$0x1] =	wrdreg $0xFFFFFFFF  }
0xae: {  	[dreg:$0x0] =	wrdreg $0x60  }
0xaf: {  	[dreg:$0x2] =	wrdreg s2  }
0xb0: {  	[dreg:$0x3] =	wrdreg s24  }
0xb1: {  	[dreg:$0x4] =	wrdreg s18  }
0xb2: {  	[dreg:$0x5] =	wrdreg $0x9  }
0xb3: {  	_ =	task.clear_ibuf [dreg:s8], $0x6FFFF;
	_ =	strace $0x90000046  }
0xb4: {  	s29 =	simm.s32 $0x9;
	_ =	strace $0x80000048  }
0xb5: {  	_ =	swait.ge [sflag:s29], $0x1  }
0xb6: {  	[sflag:s29] =	ssyncadd.s32 $0xFFFFFFFF  }
0xb7: {  	_ =	strace $0x90000048  }
0xb8: {  	_ =	sfence  }
0xb9: {  	s30 =	sld [smem:$0x0];
	_ =	sdelay $0x2  }
0xba: {  	s31 =	sshll.u32 s1, $0xD;
	s1 =	sshrl.u32 s1, $0x2  }
0xbb: {  	s3 =	sand.u32 $0x4000, s31;
	s1 =	sadd.s32 s1, s30  }
0xbc: {  	s0 =	sor.u32 s3, s0;
	s1 =	sshll.u32 s1, $0x11  }
0xbd: {  	s0 =	sor.u32 s1, s0  }
0xbe: {  	s0 =	sadd.s32 $0x8F2B, s0  }
0xbf: {  	[sflag:s0] =	ssyncadd.remote.s32 $0x1  }
0xc0: {  	_ =	sfence.sel $0xFFFF  }
0xc1: {  	[dreg:$0x0] =	wrdreg $0xFFFFFFFF;
	(pc) =	sbr.abs _section_cstart, $3  }
0xc2: {  	[dreg:$0x1] =	wrdreg $0xFFFFFFFF  }
0xc3: {  	_ =	task.clear_ibuf [dreg:s8], $0x2FFFF;
	_ =	strace $0x9FFFFFFF  }
0xc4: {  	(tm) =	ssettm $0x7FFFFFFF  }
0xc5: {  	_ =	shalt  }
tec
execute0_lowered:
.L_overlay_start_1:
0x0: {  	(tag) =	ssettag $0x1  }
0x1: {  	s1 =	rddreg [dreg:$0x0]  }
0x2: {  	s5 =	rddreg [dreg:$0x1]  }
0x3: {  	s2 =	rddreg [dreg:$0x2]  }
0x4: {  	s0 =	rddreg [dreg:$0x3];
	s3 =	simm.s32 $0x0  }
0x5: {  	s4 =	srdreg.scid;
	s11 =	simm.s32 $0x5;
	s12 =	simm.s32 $0x8000  }
0x6: {  	v60 =	vlaneseq.u32;
	s13 =	simm.s32 $0x1;
	s14 =	simm.s32 $0xC000;
	s15 =	simm.s32 $0x10000  }
0x7: {  	s16 =	simm.s32 $0x100;
	s17 =	simm.s32 $0x200;
	[smem:$0x7FF] =	sst s3;
	v9 =	vor.u32 $0x6000, v60  }
0x8: {  	s18 =	simm.s32 $0x300;
	s19 =	simm.s32 $0x2;
	v63 =	vor.u32 $0x2000, v60;
	_ =	strace $0x80000047;
	[tilespmem:$0x1FF90] =	vst v9  }
0x9: {  	s20 =	simm.s32 $0x14000;
	s21 =	simm.s32 $0x3;
	s22 =	simm.s32 $0x4;
	v59 =	vmul.u32 $0x4, v60;
	v8 =	vor.u32 $0x4000, v60;
	[tilespmem:$0x1FFA0] =	vst v63  }
0xa: {  	s23 =	simm.s32 $0x0;
	s6 =	sand.u32 $0x1, s4;
	s4 =	stileid.u32;
	[tilespmem:$0x1FFB0] =	vst v8  }
0xb: {  	s7 =	ssub.s32 $0x2, s6;
	s9 =	sshll.u32 s4, $0x11;
	s6 =	sshll.u32 s6, $0x10;
	v5 =	vor.u32 $0x3, v59;
	[tilespmem:$0x1FFF0] =	vst v59  }
0xc: {  	s5 =	sadd.s32 $0x800, s5;
	s8 =	sshrl.u32 s7, $0x1;
	s31 =	sor.u32 s6, s9;
	v4 =	vor.u32 $0x2, v59;
	[tilespmem:$0x1FFC0] =	vst v5  }
0xd: {  	v3 =	vor.u32 $0x1, v59;
	s10 =	ssub.s32 s7, s8;
	s6 =	sadd.s32 s1, s31;
	s7 =	sor.u32 $0x800, s31;
	[tilespmem:$0x1FFD0] =	vst v4  }
0xe: {  	v61 =	vimm.s32 $0x1C00;
	v0 =	vimm.s32 $0x3;
	v7 =	vimm.s32 $0x0;
	s8 =	sadd.s32 s2, s31;
	[tilespmem:$0x1FFE0] =	vst v3;
	s9 =	sadd.s32 $0x1000, s6;
	s10 =	smax.u32 s10, $0x1  }
.LBB2_1:
0xf: {  	[tilespmem:s3], [sflag:$0x5] =	stream.linear.gather [hbm4b:s5+s3], $0x8000, $0x38;
	[tilespmem:$0x18000] =	vst v63  }
0x10: {  	_ =	swait.ge [sflag:s11], $0x8000  }
0x11: {  	[sflag:s11] =	ssyncset.done $0x0  }
0x12: {  	s24 =	simm.s32 $0x0;
	[sflag:s11] =	ssyncadd.s32 $0xFFFF8000  }
0x13: {  	[tilespmem:s12], [sflag:$0x1] =	stream.linear.gather [hbm4b:s6+s3], $0x4000, $0x38;
	[tilespmem:$0x18000] =	vst v63  }
.LBB2_2:
0x14: {  	s25 =	simm.s32 $0x2  }
0x15: {  	s26 =	simm.s32 $0x0;
	s28 =	sand.u32 $0xF, s25  }
0x16: {  	v11 =	vmov s26;
	s25 =	sshll.u32 s28, $0x6  }
0x17: {  	v13 =	vshll.u32 v11, $0x7;
	v11 =	vshll.u32 v11, $0xA;
	v12 =	vmov s25  }
0x18: {  	v14 =	vor.u32 s25, v4;
	v15 =	vor.u32 s25, v5;
	v17 =	vor.u32 s25, v59  }
0x19: {  	v16 =	vor.u32 s25, v3;
	v11 =	vand.u32 $0x6000, v11;
	v14 =	vand.u32 $0x7E, v14  }
0x1a: {  	_ =	swait.ge [sflag:s13], $0x4000;
	s26 =	sshll.u32 s24, $0xC;
	v13 =	vand.u32 $0x380, v13;
	v12 =	vshll.u32 v12, $0x3;
	v14 =	vor.u32 v14, v11  }
0x1b: {  	[sflag:s13] =	ssyncset.done $0x0;
	s25 =	sadd.s32 s7, s26;
	v15 =	vand.u32 $0x7F, v15;
	v12 =	vand.u32 $0x1C00, v12;
	v14 =	vor.u32 v13, v14  }
0x1c: {  	p0 =	seq.s32 s24, $0x0;
	[sflag:s13] =	ssyncadd.s32 $0xFFFFC000;
	s29 =	sadd.s32 s1, s25;
	v18 =	vand.u32 $0x7D, v16;
	v16 =	vor.u32 v12, v14;
	v14 =	vor.u32 v15, v11  }
0x1d: {  	[tilespmem:s14], [sflag:$0x2] =	stream.linear.gather [hbm4b:s29+s3], $0x4000, $0x38;
	v15 =	vand.u32 $0x7C, v17;
	v17 =	vor.u32 v18, v11;
	v14 =	vor.u32 v13, v14;
	[tilespmem:$0x18000] =	vst v63  }
0x1e: {  	s29 =	simm.s32 @!p0 $0x3;
	v15 =	vor.u32 v15, v11;
	v17 =	vor.u32 v13, v17;
	v11 =	vor.u32 v12, v14  }
0x1f: {  	_ =	swait.ge @!p0 [sflag:s29], $0x4000;
	v13 =	vor.u32 v13, v15;
	v19 =	vor.u32 v12, v17  }
0x20: {  	[sflag:s29] =	ssyncset.done @!p0 $0x0;
	v41 =	vor.u32 v12, v13  }
0x21: {  	[sflag:s29] =	ssyncadd.s32 @!p0 $0xFFFFC000  }
0x22: {  	v13 =	vld.idx.msk [tilespmem:v16+s12+$0x0], $0xffff  }
0x23: {  	v12 =	vld.idx.msk [tilespmem:v11+s12+$0x0], $0xffff  }
0x24: {  	v14 =	vld.idx.msk [tilespmem:v19+s12+$0x0], $0xffff  }
0x25: {  	v15 =	vld.idx.msk [tilespmem:v41+s12+$0x0], $0xffff  }
0x26: {  	s28 =	sshll.u32 s28, $0x4  }
0x27: {  	v20 =	vmov s28  }
0x28: {  	v20 =	vand.u32 $0x80, v20;
	v18 =	vor.u32 s28, v60;
	v17 =	vor.u32 s28, v9  }
0x29: {  	v21 =	vand.u32 $0x7F, v18;
	v18 =	vand.u32 $0x7F, v17;
	vm0 =	vge.f32 v13, v14  }
0x2a: {  	vm1 =	vge.f32 v12, v13;
	vm4 =	vge.f32 v12, v14;
	vm2 =	vge.f32 v13, v15  }
0x2b: {  	vm3 =	vge.f32 v12, v15;
	vm5 =	vge.f32 v14, v15;
	v22 =	vsel vm1, $0xFFFFF000, v7  }
0x2c: {  	v23 =	vsel vm4, $0xFFFFF800, v7;
	v24 =	vsel vm1, $0x4, v7;
	v27 =	vsel vm0, $0x2, v7  }
0x2d: {  	v31 =	vsel vm4, $0x4, v7;
	v25 =	vsel vm3, $0x1800, v61;
	v26 =	vsel vm5, $0x1, v7  }
0x2e: {  	v28 =	vsel vm2, $0x2, v0;
	v29 =	vsel vm2, $0x2, v7;
	v30 =	vsel vm3, $0x4, v7  }
0x2f: {  	vm9 =	vmneg vm5;
	v28 =	vsub.s32 v28, v27;
	v23 =	vadd.s32 v25, v23  }
0x30: {  	v25 =	vor.u32 v30, v29;
	v29 =	vsel vm9, $0x1, v7;
	v22 =	vadd.s32 v22, v23  }
0x31: {  	v23 =	vor.u32 v24, v28;
	v24 =	vor.u32 v26, v25;
	v25 =	vor.u32 v29, v31  }
0x32: {  	v23 =	vshll.u32 v23, $0xA;
	v17 =	vadd.s32 v17, v22;
	v22 =	vshll.u32 v24, $0xA  }
0x33: {  	s31 =	simm.s32 $0x1;
	v24 =	vor.u32 v27, v25;
	v17 =	vand.u32 $0xFFFFFC80, v17;
	v23 =	vor.u32 s28, v23  }
0x34: {  	s29 =	sand.u32 $0xF, s31;
	v24 =	vshll.u32 v24, $0xA;
	v20 =	vor.u32 v20, v22;
	v18 =	vor.u32 v18, v17  }
0x35: {  	s30 =	simm.s32 $0x0;
	v17 =	vor.u32 s28, v24;
	v27 =	vor.u32 v21, v20;
	v21 =	vor.u32 v8, v23;
	s28 =	sshll.u32 s29, $0x6  }
0x36: {  	v20 =	vmov s30;
	v23 =	vor.u32 v63, v17;
	v17 =	vmov s28  }
0x37: {  	v22 =	vshll.u32 v20, $0x7;
	v24 =	vor.u32 s28, v4;
	v25 =	vor.u32 s28, v59  }
0x38: {  	v20 =	vshll.u32 v20, $0xA;
	v26 =	vor.u32 s28, v5;
	v28 =	vor.u32 s28, v3  }
0x39: {  	v17 =	vshll.u32 v17, $0x3;
	v22 =	vand.u32 $0x380, v22;
	v25 =	vand.u32 $0x7C, v25  }
0x3a: {  	v24 =	vand.u32 $0x7E, v24;
	v20 =	vand.u32 $0x6000, v20;
	v26 =	vand.u32 $0x7F, v26  }
0x3b: {  	v28 =	vand.u32 $0x7D, v28;
	v24 =	vor.u32 v24, v20;
	v30 =	vand.u32 $0x1C00, v17  }
0x3c: {  	v17 =	vor.u32 v26, v20;
	v25 =	vor.u32 v25, v20;
	v24 =	vor.u32 v22, v24  }
0x3d: {  	v20 =	vor.u32 v28, v20;
	v17 =	vor.u32 v22, v17;
	v29 =	vld.idx.msk [tilespmem:v27+s3+$0x0], $0xffff;
	v26 =	vor.u32 v30, v24  }
0x3e: {  	v20 =	vor.u32 v22, v20;
	v24 =	vor.u32 v22, v25;
	v17 =	vor.u32 v30, v17;
	v25 =	vld.idx.msk [tilespmem:v21+s3+$0x0], $0xffff  }
0x3f: {  	v33 =	vor.u32 v30, v20;
	v31 =	vld.idx.msk [tilespmem:v23+s3+$0x0], $0xffff;
	_ =	sdelay $0x1  }
0x40: {  	v28 =	vld.idx.msk [tilespmem:v18+s3+$0x0], $0xffff  }
0x41: {  	v39 =	vor.u32 v30, v24;
	v22 =	vld.idx.msk [tilespmem:v26+s12+$0x0], $0xffff  }
0x42: {  	v24 =	vmul.f32 v29, v15;
	v20 =	vld.idx.msk [tilespmem:v17+s12+$0x0], $0xffff  }
0x43: {  	v30 =	vmul.f32 v25, v13;
	v25 =	vld.idx.msk [tilespmem:v33+s12+$0x0], $0xffff;
	v29 =	vmul.f32 v31, v14  }
0x44: {  	s29 =	sshll.u32 s29, $0x4  }
0x45: {  	v34 =	vor.u32 s29, v9;
	v29 =	vadd.f32 v29, v24  }
0x46: {  	v38 =	vand.u32 $0x7F, v34;
	v24 =	vld.idx.msk [tilespmem:v39+s12+$0x0], $0xffff  }
0x47: {  	v28 =	vmul.f32 v28, v12;
	v29 =	vadd.f32 v30, v29;
	vm12 =	vge.f32 v20, v22  }
0x48: {  	vm11 =	vge.f32 v22, v25;
	vm13 =	vge.f32 v20, v25;
	v31 =	vsel vm12, $0xFFFFF000, v7  }
0x49: {  	v43 =	vsel vm12, $0x4, v7;
	v58 =	vsel vm11, $0x2, v7;
	v49 =	vsel vm13, $0x4, v7  }
0x4a: {  	v42 =	vadd.f32 v28, v29;
	v28 =	vmov s29;
	v29 =	vor.u32 s29, v60  }
0x4b: {  	s28 =	simm.s32 $0x0;
	v35 =	vand.u32 $0x80, v28;
	v37 =	vand.u32 $0x7F, v29;
	vm10 =	vge.f32 v22, v24  }
0x4c: {  	s30 =	simm.s32 $0x0;
	s31 =	sand.u32 $0xF, s28;
	vm14 =	vge.f32 v25, v24;
	vm15 =	vge.f32 v20, v24;
	v29 =	vsel vm13, $0xFFFFF800, v7  }
0x4d: {  	v28 =	vmov s30;
	s30 =	sshll.u32 s31, $0x6;
	v36 =	vsel vm15, $0x1800, v61;
	v44 =	vsel vm10, $0x2, v0  }
0x4e: {  	v30 =	vmov s30;
	v32 =	vshll.u32 v28, $0x7;
	v40 =	vor.u32 s30, v4  }
0x4f: {  	v45 =	vor.u32 s30, v59;
	v28 =	vshll.u32 v28, $0xA;
	v46 =	vor.u32 s30, v5  }
0x50: {  	v54 =	vor.u32 s30, v3;
	v30 =	vshll.u32 v30, $0x3;
	v47 =	vand.u32 $0x380, v32  }
0x51: {  	v28 =	vand.u32 $0x2000, v28;
	v40 =	vand.u32 $0x7E, v40;
	v46 =	vand.u32 $0x7F, v46  }
0x52: {  	v45 =	vand.u32 $0x7C, v45;
	v32 =	vand.u32 $0x7D, v54;
	v40 =	vor.u32 v40, v28  }
0x53: {  	v30 =	vand.u32 $0x1C00, v30;
	v46 =	vor.u32 v46, v28;
	v40 =	vor.u32 v47, v40  }
0x54: {  	v48 =	vor.u32 v32, v28;
	v55 =	vor.u32 v47, v46;
	v32 =	vor.u32 v30, v40  }
0x55: {  	v45 =	vor.u32 v45, v28;
	v56 =	vor.u32 v47, v48;
	v28 =	vor.u32 v30, v55  }
0x56: {  	v57 =	vsel vm14, $0x1, v7;
	v45 =	vor.u32 v47, v45;
	v40 =	vor.u32 v30, v56  }
0x57: {  	s31 =	sshll.u32 s31, $0x4;
	v62 =	vsel vm15, $0x4, v7;
	vm8 =	vmneg vm14;
	v46 =	vor.u32 v30, v45  }
0x58: {  	v53 =	vor.u32 s31, v60;
	v44 =	vsub.s32 v44, v58;
	v30 =	vsel vm10, $0x2, v7  }
0x59: {  	v36 =	vadd.s32 v36, v29;
	v50 =	vsel vm8, $0x1, v7;
	v48 =	vor.u32 v62, v30;
	v30 =	vld.idx.msk [tilespmem:v32+s12+$0x0], $0xffff  }
0x5a: {  	v43 =	vor.u32 v43, v44;
	v36 =	vadd.s32 v31, v36;
	v51 =	vor.u32 v50, v49;
	v29 =	vld.idx.msk [tilespmem:v28+s12+$0x0], $0xffff  }
0x5b: {  	v36 =	vadd.s32 v34, v36;
	v43 =	vshll.u32 v43, $0xA;
	v45 =	vor.u32 v58, v51;
	v31 =	vld.idx.msk [tilespmem:v40+s12+$0x0], $0xffff  }
0x5c: {  	v43 =	vor.u32 s29, v43;
	v52 =	vand.u32 $0xFFFFFC80, v36;
	v55 =	vmov s31;
	v34 =	vld.idx.msk [tilespmem:v46+s12+$0x0], $0xffff  }
0x5d: {  	v45 =	vshll.u32 v45, $0xA;
	v36 =	vor.u32 v8, v43;
	v48 =	vor.u32 v57, v48  }
0x5e: {  	v43 =	vand.u32 $0x80, v55;
	v54 =	vor.u32 s29, v45;
	v44 =	vshll.u32 v48, $0xA  }
0x5f: {  	v45 =	vand.u32 $0x7F, v53;
	v44 =	vor.u32 v35, v44;
	v35 =	vor.u32 v38, v52  }
0x60: {  	v38 =	vor.u32 v63, v54;
	v37 =	vor.u32 v37, v44;
	vm9 =	vge.f32 v30, v31  }
0x61: {  	vm10 =	vge.f32 v29, v30;
	vm11 =	vge.f32 v30, v34;
	vm13 =	vge.f32 v29, v31  }
0x62: {  	vm12 =	vge.f32 v29, v34;
	vm14 =	vge.f32 v31, v34;
	v44 =	vsel vm13, $0xFFFFF800, v7  }
0x63: {  	v48 =	vsel vm10, $0xFFFFF000, v7;
	v56 =	vsel vm14, $0x1, v7;
	v49 =	vsel vm10, $0x4, v7  }
0x64: {  	v57 =	vsel vm11, $0x2, v7;
	v51 =	vsel vm12, $0x4, v7;
	v52 =	vsel vm12, $0x1800, v61  }
0x65: {  	vm15 =	vmneg vm14;
	v53 =	vsel vm13, $0x4, v7;
	v50 =	vor.u32 v51, v57  }
0x66: {  	[tilespmem:v41+s15+$0x0] =	vst.idx.msk $0xffff, v42;
	v62 =	vsel vm9, $0x2, v7;
	v58 =	vsel vm15, $0x1, v7;
	v47 =	vor.u32 v56, v50  }
0x67: {  	v41 =	vld.idx.msk [tilespmem:v18+s16+$0x0], $0xffff;
	v57 =	vsel vm11, $0x2, v0;
	v56 =	vor.u32 v58, v53;
	v47 =	vshll.u32 v47, $0xA  }
0x68: {  	v54 =	vld.idx.msk [tilespmem:v23+s16+$0x0], $0xffff;
	v44 =	vadd.s32 v52, v44;
	v42 =	vor.u32 v62, v56;
	v43 =	vor.u32 v43, v47  }
0x69: {  	v53 =	vld.idx.msk [tilespmem:v27+s16+$0x0], $0xffff;
	v58 =	vsub.s32 v57, v62;
	v62 =	vshll.u32 v42, $0xA;
	v42 =	vor.u32 v45, v43  }
0x6a: {  	v51 =	vld.idx.msk [tilespmem:v38+s3+$0x0], $0xffff;
	v44 =	vadd.s32 v48, v44;
	v55 =	vor.u32 v49, v58  }
0x6b: {  	v57 =	vor.u32 s31, v9;
	v48 =	vld.idx.msk [tilespmem:v37+s3+$0x0], $0xffff;
	v56 =	vor.u32 s31, v62;
	v43 =	vshll.u32 v55, $0xA  }
0x6c: {  	v50 =	vld.idx.msk [tilespmem:v36+s3+$0x0], $0xffff;
	v58 =	vadd.s32 v57, v44;
	v45 =	vor.u32 v63, v56;
	v43 =	vor.u32 s31, v43  }
0x6d: {  	v47 =	vld.idx.msk [tilespmem:v21+s16+$0x0], $0xffff;
	v62 =	vand.u32 $0xFFFFFC80, v58;
	v63 =	vand.u32 $0x7F, v57;
	v44 =	vor.u32 v8, v43  }
0x6e: {  	v43 =	vor.u32 v63, v62;
	v52 =	vmul.f32 v53, v15;
	v53 =	vmul.f32 v54, v14;
	v49 =	vld.idx.msk [tilespmem:v42+s3+$0x0], $0xffff  }
.LBB2_3:
0x6f: {  	_ =	sdelay $0x1  }
0x70: {  	s29 =	sadd.s32 $0x5, s28;
	v54 =	vld.idx.msk [tilespmem:v45+s3+$0x0], $0xffff  }
0x71: {  	s30 =	sshrl.u32 s29, $0x4  }
0x72: {  	v52 =	vadd.f32 v53, v52;
	v53 =	vmov s30;
	v47 =	vmul.f32 v47, v13  }
0x73: {  	v55 =	vld.idx.msk [tilespmem:v35+s3+$0x0], $0xffff;
	v57 =	vshll.u32 v53, $0x7;
	v41 =	vmul.f32 v41, v12;
	v48 =	vmul.f32 v48, v24  }
0x74: {  	v56 =	vld.idx.msk [tilespmem:v44+s3+$0x0], $0xffff;
	v51 =	vmul.f32 v51, v25;
	v50 =	vmul.f32 v50, v22;
	v47 =	vadd.f32 v47, v52  }
0x75: {  	s29 =	sand.u32 $0xF, s29;
	v53 =	vshll.u32 v53, $0xA;
	v49 =	vmul.f32 v49, v34;
	v63 =	vmul.f32 v54, v31  }
0x76: {  	v58 =	vld.idx.msk [tilespmem:v43+s3+$0x0], $0xffff;
	s31 =	sshll.u32 s29, $0x6;
	v53 =	vand.u32 $0x6000, v53;
	v48 =	vadd.f32 v51, v48;
	v41 =	vadd.f32 v41, v47  }
0x77: {  	v57 =	vand.u32 $0x380, v57;
	v54 =	vor.u32 s31, v5;
	v62 =	vadd.f32 v63, v49  }
0x78: {  	v52 =	vmov s31;
	v48 =	vadd.f32 v50, v48;
	v50 =	vmul.f32 v55, v20;
	[tilespmem:v19+s15+$0x0] =	vst.idx.msk $0xffff, v41  }
0x79: {  	v63 =	vmul.f32 v56, v30;
	v52 =	vshll.u32 v52, $0x3;
	v47 =	vor.u32 s31, v4;
	v51 =	vld.idx.msk [tilespmem:v18+s17+$0x0], $0xffff  }
0x7a: {  	v55 =	vor.u32 s31, v3;
	v52 =	vand.u32 $0x1C00, v52;
	v48 =	vadd.f32 v50, v48;
	v50 =	vld.idx.msk [tilespmem:v21+s17+$0x0], $0xffff  }
0x7b: {  	v47 =	vand.u32 $0x7E, v47;
	v41 =	vadd.f32 v63, v62;
	v62 =	vmul.f32 v58, v29;
	v56 =	vld.idx.msk [tilespmem:v27+s17+$0x0], $0xffff  }
0x7c: {  	v19 =	vor.u32 s31, v59;
	v58 =	vor.u32 v47, v53;
	v63 =	vand.u32 $0x7F, v54;
	[tilespmem:v39+s15+$0x0] =	vst.idx.msk $0xffff, v48;
	v48 =	vld.idx.msk [tilespmem:v23+s17+$0x0], $0xffff  }
0x7d: {  	v63 =	vor.u32 v63, v53;
	v19 =	vand.u32 $0x7C, v19;
	v41 =	vadd.f32 v62, v41;
	v49 =	vld.idx.msk [tilespmem:v37+s16+$0x0], $0xffff  }
0x7e: {  	v62 =	vand.u32 $0x7D, v55;
	v39 =	vor.u32 v57, v58;
	v19 =	vor.u32 v19, v53;
	v55 =	vld.idx.msk [tilespmem:v38+s16+$0x0], $0xffff  }
0x7f: {  	v58 =	vor.u32 v52, v39;
	v47 =	vld.idx.msk [tilespmem:v36+s16+$0x0], $0xffff;
	v62 =	vor.u32 v62, v53;
	v39 =	vor.u32 v57, v63  }
0x80: {  	v63 =	vor.u32 v57, v19;
	[tilespmem:v46+s15+$0x0] =	vst.idx.msk $0xffff, v41;
	v41 =	vor.u32 v57, v62;
	v57 =	vld.idx.msk [tilespmem:v35+s16+$0x0], $0xffff  }
0x81: {  	v39 =	vor.u32 v52, v39;
	v54 =	vld.idx.msk [tilespmem:v42+s16+$0x0], $0xffff  }
0x82: {  	v53 =	vld.idx.msk [tilespmem:v45+s16+$0x0], $0xffff;
	v19 =	vor.u32 v52, v41  }
0x83: {  	v41 =	vor.u32 v52, v63;
	v52 =	vld.idx.msk [tilespmem:v44+s16+$0x0], $0xffff;
	v62 =	vmul.f32 v56, v15  }
0x84: {  	s29 =	sshll.u32 s29, $0x4;
	v63 =	vld.idx.msk [tilespmem:v43+s16+$0x0], $0xffff;
	v50 =	vmul.f32 v50, v13;
	v48 =	vmul.f32 v48, v14  }
0x85: {  	v60 =	vor.u32 s29, v60;
	v56 =	vld.idx.msk [tilespmem:v58+s12+$0x0], $0xffff;
	v49 =	vmul.f32 v49, v24;
	v55 =	vmul.f32 v55, v25  }
0x86: {  	v51 =	vmul.f32 v51, v12;
	v47 =	vmul.f32 v47, v22;
	v48 =	vadd.f32 v48, v62;
	v46 =	vld.idx.msk [tilespmem:v39+s12+$0x0], $0xffff  }
0x87: {  	v49 =	vadd.f32 v55, v49;
	v55 =	vld.idx.msk [tilespmem:v19+s12+$0x0], $0xffff;
	v54 =	vmul.f32 v54, v34;
	v53 =	vmul.f32 v53, v31  }
0x88: {  	v57 =	vmul.f32 v57, v20;
	v52 =	vmul.f32 v52, v30;
	v48 =	vadd.f32 v50, v48  }
0x89: {  	v62 =	vmul.f32 v63, v29;
	v50 =	vld.idx.msk [tilespmem:v41+s12+$0x0], $0xffff;
	v47 =	vadd.f32 v47, v49;
	v53 =	vadd.f32 v53, v54  }
0x8a: {  	v63 =	vmov s29;
	v49 =	vand.u32 $0x7F, v60;
	v48 =	vadd.f32 v51, v48  }
0x8b: {  	v51 =	vor.u32 s29, v9;
	v47 =	vadd.f32 v57, v47;
	v52 =	vadd.f32 v52, v53  }
0x8c: {  	v54 =	vand.u32 $0x7F, v51;
	vm1 =	vge.f32 v46, v56;
	vm0 =	vge.f32 v56, v55  }
0x8d: {  	[tilespmem:v16+s15+$0x0] =	vst.idx.msk $0xffff, v48;
	vm4 =	vge.f32 v46, v55;
	v53 =	vsel vm1, $0xFFFFF000, v7;
	v48 =	vand.u32 $0x80, v63  }
0x8e: {  	v0 =	vimm.s32 $0x3;
	[tilespmem:v33+s15+$0x0] =	vst.idx.msk $0xffff, v47;
	v57 =	vadd.f32 v62, v52;
	vm2 =	vge.f32 v56, v50;
	v23 =	vld.idx.msk [tilespmem:v23+s18+$0x0], $0xffff  }
0x8f: {  	vm3 =	vge.f32 v46, v50;
	vm5 =	vge.f32 v55, v50;
	v6 =	vsel vm4, $0x4, v7;
	v21 =	vld.idx.msk [tilespmem:v21+s18+$0x0], $0xffff  }
0x90: {  	v10 =	vmovc v8;
	v16 =	vmovc v58;
	v52 =	vld.idx.msk [tilespmem:v37+s17+$0x0], $0xffff;
	v58 =	vsel vm3, $0x1800, v61;
	v60 =	vsel vm5, $0x1, v7;
	v61 =	vsel vm0, $0x2, v7  }
0x91: {  	v8 =	vmovc v5;
	v5 =	vmovc v4;
	v33 =	vld.idx.msk [tilespmem:v38+s17+$0x0], $0xffff;
	v62 =	vsel vm2, $0x2, v0;
	v0 =	vsel vm2, $0x2, v7;
	v2 =	vsel vm3, $0x4, v7  }
0x92: {  	v4 =	vmovc v3;
	v47 =	vld.idx.msk [tilespmem:v36+s17+$0x0], $0xffff;
	vm9 =	vmneg vm5;
	[tilespmem:v40+s15+$0x0] =	vst.idx.msk $0xffff, v57;
	v40 =	vsel vm4, $0xFFFFF800, v7;
	v57 =	vsel vm1, $0x4, v7  }
0x93: {  	v3 =	vmovc v59;
	v62 =	vsub.s32 v62, v61;
	v0 =	vor.u32 v2, v0;
	v2 =	vsel vm9, $0x1, v7;
	v59 =	vld.idx.msk [tilespmem:v42+s17+$0x0], $0xffff  }
0x94: {  	v63 =	vld.idx.msk [tilespmem:v45+s17+$0x0], $0xffff;
	v40 =	vadd.s32 v58, v40;
	v0 =	vor.u32 v60, v0;
	v60 =	vlaneseq.u32  }
0x95: {  	v1 =	vld.idx.msk [tilespmem:v35+s17+$0x0], $0xffff;
	v2 =	vor.u32 v2, v6;
	v40 =	vadd.s32 v53, v40;
	v53 =	vor.u32 v57, v62  }
0x96: {  	v58 =	vld.idx.msk [tilespmem:v44+s17+$0x0], $0xffff;
	v62 =	vimm.s32 $0x3;
	v52 =	vmul.f32 v52, v24;
	v33 =	vmul.f32 v33, v25  }
0x97: {  	v27 =	vld.idx.msk [tilespmem:v27+s18+$0x0], $0xffff;
	v0 =	vshll.u32 v0, $0xA;
	v2 =	vor.u32 v61, v2;
	v23 =	vmul.f32 v23, v14  }
0x98: {  	v57 =	vld.idx.msk [tilespmem:v43+s17+$0x0], $0xffff;
	v21 =	vmul.f32 v21, v13;
	v6 =	vmul.f32 v47, v22;
	v33 =	vadd.f32 v33, v52  }
0x99: {  	v40 =	vadd.s32 v51, v40;
	v47 =	vmul.f32 v59, v34;
	v59 =	vmul.f32 v63, v31  }
0x9a: {  	s30 =	sadd.s32 $0x4, s28;
	v2 =	vshll.u32 v2, $0xA;
	v1 =	vmul.f32 v1, v20;
	v6 =	vadd.f32 v6, v33  }
0x9b: {  	s31 =	sshrl.u32 s30, $0x4;
	v0 =	vor.u32 v48, v0;
	v58 =	vmul.f32 v58, v30;
	v47 =	vadd.f32 v59, v47  }
0x9c: {  	v48 =	vmov s31;
	v52 =	vshll.u32 v53, $0xA;
	v53 =	vld.idx.msk [tilespmem:v18+s18+$0x0], $0xffff;
	v1 =	vadd.f32 v1, v6  }
0x9d: {  	v18 =	vmul.f32 v27, v15;
	v57 =	vmul.f32 v57, v29;
	v27 =	vadd.f32 v58, v47  }
0x9e: {  	v2 =	vor.u32 s29, v2;
	v63 =	vld [tilespmem:$0x1FFA0];
	v15 =	vmovc v50;
	v33 =	vshll.u32 v48, $0xA;
	v6 =	vand.u32 $0xFFFFFC80, v40;
	[tilespmem:v26+s15+$0x0] =	vst.idx.msk $0xffff, v1  }
0x9f: {  	s30 =	sand.u32 $0xF, s30;
	v27 =	vadd.f32 v57, v27;
	v1 =	vadd.f32 v23, v18;
	v18 =	vor.u32 v54, v6;
	v6 =	vld.idx.msk [tilespmem:v37+s18+$0x0], $0xffff  }
0xa0: {  	s31 =	sshll.u32 s30, $0x6;
	v50 =	vshll.u32 v48, $0x7;
	v33 =	vand.u32 $0x6000, v33;
	v59 =	vmovc v3;
	v3 =	vmovc v4;
	v4 =	vmov v5;
	v26 =	vld.idx.msk [tilespmem:v38+s18+$0x0], $0xffff  }
0xa1: {  	v58 =	vor.u32 s29, v52;
	v47 =	vmul.f32 v53, v12;
	v51 =	vor.u32 s31, v4;
	v52 =	vld.idx.msk [tilespmem:v36+s18+$0x0], $0xffff;
	[tilespmem:v32+s15+$0x0] =	vst.idx.msk $0xffff, v27  }
0xa2: {  	v13 =	vmovc v56;
	v5 =	vmovc v8;
	v53 =	vor.u32 s31, v59;
	v56 =	vor.u32 s31, v3;
	v27 =	vor.u32 v49, v0;
	v0 =	vld.idx.msk [tilespmem:v42+s18+$0x0], $0xffff  }
0xa3: {  	v23 =	vor.u32 v63, v2;
	v54 =	vor.u32 s31, v5;
	v1 =	vadd.f32 v21, v1;
	v2 =	vld.idx.msk [tilespmem:v45+s18+$0x0], $0xffff  }
0xa4: {  	v40 =	vand.u32 $0x7C, v53;
	v37 =	vand.u32 $0x380, v50;
	v57 =	vld.idx.msk [tilespmem:v35+s18+$0x0], $0xffff;
	v38 =	vand.u32 $0x7E, v51  }
0xa5: {  	v14 =	vmovc v55;
	v21 =	vor.u32 v10, v58;
	v49 =	vmov s31;
	v55 =	vld.idx.msk [tilespmem:v44+s18+$0x0], $0xffff;
	v1 =	vadd.f32 v47, v1  }
0xa6: {  	v32 =	vshll.u32 v49, $0x3;
	v6 =	vmul.f32 v6, v24;
	v24 =	vmul.f32 v26, v25  }
0xa7: {  	v42 =	vand.u32 $0x7F, v54;
	v58 =	vld.idx.msk [tilespmem:v43+s18+$0x0], $0xffff;
	v25 =	vand.u32 $0x7D, v56;
	v22 =	vmul.f32 v52, v22;
	[tilespmem:v11+s15+$0x0] =	vst.idx.msk $0xffff, v1  }
0xa8: {  	v0 =	vmul.f32 v0, v34;
	v2 =	vmul.f32 v2, v31;
	v6 =	vadd.f32 v24, v6  }
0xa9: {  	v1 =	vor.u32 v38, v33;
	v20 =	vmul.f32 v57, v20;
	v25 =	vor.u32 v25, v33  }
0xaa: {  	v0 =	vadd.f32 v2, v0;
	v2 =	vmul.f32 v55, v30;
	v6 =	vadd.f32 v22, v6  }
0xab: {  	v1 =	vor.u32 v37, v1;
	v31 =	vand.u32 $0x1C00, v32;
	v24 =	vor.u32 v42, v33;
	v30 =	vld.idx.msk [tilespmem:v27+s3+$0x0], $0xffff  }
0xac: {  	v0 =	vadd.f32 v2, v0;
	v2 =	vmul.f32 v58, v29;
	v29 =	vld.idx.msk [tilespmem:v23+s3+$0x0], $0xffff;
	v6 =	vadd.f32 v20, v6  }
0xad: {  	v26 =	vor.u32 v31, v1;
	v1 =	vor.u32 v37, v24;
	v22 =	vor.u32 v40, v33  }
0xae: {  	s28 =	sadd.s32 $0x3, s28;
	v61 =	vimm.s32 $0x1C00;
	v0 =	vadd.f32 v2, v0;
	v2 =	vor.u32 v37, v22;
	[tilespmem:v17+s15+$0x0] =	vst.idx.msk $0xffff, v6  }
0xaf: {  	s29 =	sshll.u32 s30, $0x4;
	s30 =	sand.u32 $0xF, s28;
	s31 =	sshrl.u32 s28, $0x4;
	v11 =	vmovc v39;
	v17 =	vor.u32 v31, v1;
	v1 =	vor.u32 v37, v25;
	v39 =	vor.u32 v31, v2  }
0xb0: {  	v33 =	vor.u32 v31, v1;
	v1 =	vmul.f32 v30, v15;
	[tilespmem:v28+s15+$0x0] =	vst.idx.msk $0xffff, v0;
	v28 =	vmov s31;
	s31 =	sshll.u32 s30, $0x6  }
0xb1: {  	v44 =	vld.idx.msk [tilespmem:v21+s3+$0x0], $0xffff;
	v2 =	vmul.f32 v29, v14;
	v30 =	vmov s31;
	v45 =	vshll.u32 v28, $0x7  }
0xb2: {  	v12 =	vmovc v46;
	v46 =	vor.u32 s31, v4;
	v47 =	vor.u32 s31, v59;
	v28 =	vshll.u32 v28, $0xA  }
0xb3: {  	v48 =	vor.u32 s31, v5;
	v50 =	vor.u32 s31, v3;
	v30 =	vshll.u32 v30, $0x3  }
0xb4: {  	v49 =	vand.u32 $0x380, v45;
	v28 =	vand.u32 $0x2000, v28;
	v37 =	vand.u32 $0x7E, v46  }
0xb5: {  	v0 =	vld.idx.msk [tilespmem:v18+s3+$0x0], $0xffff;
	v40 =	vand.u32 $0x7F, v48;
	v38 =	vand.u32 $0x7C, v47;
	v32 =	vand.u32 $0x7D, v50  }
0xb6: {  	v22 =	vld.idx.msk [tilespmem:v26+s12+$0x0], $0xffff;
	v1 =	vadd.f32 v2, v1;
	v2 =	vmul.f32 v44, v13;
	v37 =	vor.u32 v37, v28  }
0xb7: {  	v20 =	vld.idx.msk [tilespmem:v17+s12+$0x0], $0xffff;
	v30 =	vand.u32 $0x1C00, v30;
	v40 =	vor.u32 v40, v28;
	v51 =	vor.u32 v32, v28  }
0xb8: {  	v38 =	vor.u32 v38, v28;
	v24 =	vld.idx.msk [tilespmem:v39+s12+$0x0], $0xffff;
	v37 =	vor.u32 v49, v37;
	v52 =	vor.u32 v49, v40  }
0xb9: {  	v25 =	vld.idx.msk [tilespmem:v33+s12+$0x0], $0xffff;
	v53 =	vor.u32 v49, v51;
	v54 =	vor.u32 v49, v38;
	v1 =	vadd.f32 v2, v1  }
0xba: {  	v0 =	vmul.f32 v0, v12;
	v2 =	vor.u32 s29, v9;
	v32 =	vor.u32 v30, v37  }
0xbb: {  	v28 =	vor.u32 v30, v52;
	v40 =	vor.u32 v30, v53;
	v46 =	vor.u32 v30, v54  }
0xbc: {  	v42 =	vadd.f32 v0, v1;
	v0 =	vmov s29;
	v1 =	vor.u32 s29, v60  }
0xbd: {  	v6 =	vand.u32 $0x7F, v2;
	v0 =	vand.u32 $0x80, v0;
	v1 =	vand.u32 $0x7F, v1  }
0xbe: {  	vm12 =	vge.f32 v20, v22;
	vm10 =	vge.f32 v22, v24;
	vm11 =	vge.f32 v22, v25  }
0xbf: {  	vm13 =	vge.f32 v25, v24;
	vm14 =	vge.f32 v20, v24;
	vm15 =	vge.f32 v20, v25  }
0xc0: {  	v31 =	vsel vm12, $0xFFFFF000, v7;
	v35 =	vsel vm12, $0x4, v7;
	v29 =	vsel vm15, $0xFFFFF800, v7  }
0xc1: {  	v34 =	vsel vm14, $0x1800, v61;
	v36 =	vsel vm10, $0x2, v62;
	v55 =	vsel vm13, $0x1, v7  }
0xc2: {  	v56 =	vsel vm11, $0x2, v7;
	v57 =	vsel vm10, $0x2, v7;
	v58 =	vsel vm14, $0x4, v7  }
0xc3: {  	vm8 =	vmneg vm13;
	v48 =	vsel vm15, $0x4, v7;
	v43 =	vor.u32 v58, v57  }
0xc4: {  	v36 =	vsub.s32 v36, v56;
	v34 =	vadd.s32 v34, v29;
	v49 =	vsel vm8, $0x1, v7  }
0xc5: {  	v30 =	vld.idx.msk [tilespmem:v32+s12+$0x0], $0xffff;
	v35 =	vor.u32 v35, v36;
	v34 =	vadd.s32 v31, v34;
	v50 =	vor.u32 v55, v43  }
0xc6: {  	v29 =	vld.idx.msk [tilespmem:v28+s12+$0x0], $0xffff;
	v51 =	vor.u32 v49, v48;
	v2 =	vadd.s32 v2, v34;
	v35 =	vshll.u32 v35, $0xA  }
0xc7: {  	v31 =	vld.idx.msk [tilespmem:v40+s12+$0x0], $0xffff;
	v37 =	vor.u32 v56, v51;
	v36 =	vshll.u32 v50, $0xA;
	v35 =	vor.u32 s29, v35  }
0xc8: {  	s30 =	sshll.u32 s30, $0x4;
	v34 =	vld.idx.msk [tilespmem:v46+s12+$0x0], $0xffff;
	v0 =	vor.u32 v0, v36;
	v2 =	vand.u32 $0xFFFFFC80, v2;
	v37 =	vshll.u32 v37, $0xA  }
0xc9: {  	v36 =	vor.u32 v10, v35;
	v35 =	vor.u32 v6, v2;
	v2 =	vor.u32 s30, v60  }
0xca: {  	v6 =	vor.u32 s29, v37;
	v37 =	vor.u32 v1, v0;
	v0 =	vmov s30  }
0xcb: {  	v1 =	vand.u32 $0x7F, v2;
	v38 =	vor.u32 v63, v6;
	vm10 =	vge.f32 v29, v30  }
0xcc: {  	v0 =	vand.u32 $0x80, v0;
	vm9 =	vge.f32 v30, v31;
	vm13 =	vge.f32 v29, v31  }
0xcd: {  	v44 =	vsel vm10, $0x4, v7;
	vm11 =	vge.f32 v30, v34;
	vm12 =	vge.f32 v29, v34  }
0xce: {  	vm14 =	vge.f32 v31, v34;
	v2 =	vsel vm13, $0xFFFFF800, v7;
	v56 =	vsel vm13, $0x4, v7  }
0xcf: {  	v57 =	vsel vm9, $0x2, v7;
	v53 =	vsel vm11, $0x2, v7;
	v54 =	vsel vm12, $0x4, v7  }
0xd0: {  	v52 =	vsel vm14, $0x1, v7;
	vm15 =	vmneg vm14;
	v47 =	vor.u32 v54, v53  }
0xd1: {  	v45 =	vsel vm12, $0x1800, v61;
	v55 =	vsel vm15, $0x1, v7;
	v43 =	vor.u32 v52, v47  }
0xd2: {  	[tilespmem:v41+s15+$0x0] =	vst.idx.msk $0xffff, v42;
	v49 =	vsel vm11, $0x2, v62;
	v50 =	vld.idx.msk [tilespmem:v36+s3+$0x0], $0xffff;
	v58 =	vor.u32 v55, v56;
	v43 =	vshll.u32 v43, $0xA  }
0xd3: {  	v42 =	vsub.s32 v49, v57;
	v52 =	vld.idx.msk [tilespmem:v27+s16+$0x0], $0xffff;
	v48 =	vor.u32 v57, v58;
	v0 =	vor.u32 v0, v43  }
0xd4: {  	p0 =	slt.u32 s28, $0xFC;
	v56 =	vld.idx.msk [tilespmem:v23+s16+$0x0], $0xffff;
	v57 =	vor.u32 v44, v42;
	v41 =	vshll.u32 v48, $0xA;
	v42 =	vor.u32 v1, v0  }
.Ltmp0:
0xd5: {  	v6 =	vsel vm10, $0xFFFFF000, v7;
	v47 =	vld.idx.msk [tilespmem:v21+s16+$0x0], $0xffff;
	v58 =	vor.u32 s30, v41;
	v0 =	vadd.s32 v45, v2;
	(pc) =	sbr.rel @p0 .LBB2_3-.Ltmp0, $4  }
0xd6: {  	v51 =	vld.idx.msk [tilespmem:v38+s3+$0x0], $0xffff;
	v1 =	vshll.u32 v57, $0xA;
	v2 =	vor.u32 s30, v9;
	v0 =	vadd.s32 v6, v0  }
0xd7: {  	v48 =	vld.idx.msk [tilespmem:v37+s3+$0x0], $0xffff;
	v45 =	vor.u32 v63, v58;
	v1 =	vor.u32 s30, v1;
	v0 =	vadd.s32 v2, v0  }
0xd8: {  	v8 =	vmovc v10;
	v41 =	vld.idx.msk [tilespmem:v18+s16+$0x0], $0xffff;
	v44 =	vor.u32 v10, v1;
	v1 =	vand.u32 $0x7F, v2;
	v0 =	vand.u32 $0xFFFFFC80, v0  }
0xd9: {  	v52 =	vmul.f32 v52, v15;
	v53 =	vmul.f32 v56, v14;
	v43 =	vor.u32 v1, v0;
	v49 =	vld.idx.msk [tilespmem:v42+s3+$0x0], $0xffff  }
0xda: {  	_ =	sdelay $0x3  }
0xdb: {  	v0 =	vld.idx.msk [tilespmem:v45+s3+$0x0], $0xffff  }
0xdc: {  	v1 =	vld.idx.msk [tilespmem:v35+s3+$0x0], $0xffff  }
0xdd: {  	v2 =	vld.idx.msk [tilespmem:v44+s3+$0x0], $0xffff;
	v58 =	vmul.f32 v51, v25;
	v6 =	vmul.f32 v48, v24;
	_ =	sdelay $0x1  }
0xde: {  	v54 =	vld.idx.msk [tilespmem:v43+s3+$0x0], $0xffff;
	v50 =	vmul.f32 v50, v22;
	v6 =	vadd.f32 v58, v6  }
0xdf: {  	v49 =	vmul.f32 v49, v34;
	v0 =	vmul.f32 v0, v31  }
0xe0: {  	v1 =	vmul.f32 v1, v20;
	v6 =	vadd.f32 v50, v6  }
0xe1: {  	v2 =	vmul.f32 v2, v30;
	v0 =	vadd.f32 v0, v49  }
0xe2: {  	v1 =	vadd.f32 v1, v6  }
0xe3: {  	v55 =	vmul.f32 v54, v29;
	v0 =	vadd.f32 v2, v0  }
0xe4: {  	[tilespmem:v39+s15+$0x0] =	vst.idx.msk $0xffff, v1  }
0xe5: {  	v0 =	vadd.f32 v55, v0;
	v1 =	vld.idx.msk [tilespmem:v37+s16+$0x0], $0xffff  }
0xe6: {  	v56 =	vld.idx.msk [tilespmem:v38+s16+$0x0], $0xffff  }
0xe7: {  	v57 =	vld.idx.msk [tilespmem:v36+s16+$0x0], $0xffff;
	[tilespmem:v46+s15+$0x0] =	vst.idx.msk $0xffff, v0  }
0xe8: {  	v6 =	vld.idx.msk [tilespmem:v42+s16+$0x0], $0xffff  }
0xe9: {  	v58 =	vadd.f32 v53, v52;
	v52 =	vmul.f32 v47, v13;
	v53 =	vld.idx.msk [tilespmem:v45+s16+$0x0], $0xffff  }
0xea: {  	v41 =	vmul.f32 v41, v12;
	v54 =	vld.idx.msk [tilespmem:v35+s16+$0x0], $0xffff  }
0xeb: {  	v39 =	vadd.f32 v52, v58;
	v55 =	vld.idx.msk [tilespmem:v44+s16+$0x0], $0xffff;
	v1 =	vmul.f32 v1, v24;
	v2 =	vmul.f32 v56, v25;
	_ =	sdelay $0x1  }
0xec: {  	v39 =	vadd.f32 v41, v39;
	v56 =	vld.idx.msk [tilespmem:v43+s16+$0x0], $0xffff;
	v0 =	vmul.f32 v57, v22;
	v1 =	vadd.f32 v2, v1  }
0xed: {  	v57 =	vmul.f32 v6, v34;
	v6 =	vmul.f32 v53, v31  }
0xee: {  	[tilespmem:v19+s15+$0x0] =	vst.idx.msk $0xffff, v39;
	v58 =	vmul.f32 v54, v20;
	v0 =	vadd.f32 v0, v1  }
0xef: {  	v19 =	vld.idx.msk [tilespmem:v27+s17+$0x0], $0xffff;
	v2 =	vadd.f32 v6, v57;
	v6 =	vmul.f32 v55, v30  }
0xf0: {  	v39 =	vld.idx.msk [tilespmem:v23+s17+$0x0], $0xffff;
	v0 =	vadd.f32 v58, v0  }
0xf1: {  	v46 =	vld.idx.msk [tilespmem:v18+s17+$0x0], $0xffff;
	v2 =	vadd.f32 v6, v2;
	v6 =	vmul.f32 v56, v29  }
0xf2: {  	v47 =	vld.idx.msk [tilespmem:v21+s17+$0x0], $0xffff;
	[tilespmem:v33+s15+$0x0] =	vst.idx.msk $0xffff, v0  }
0xf3: {  	v48 =	vadd.f32 v6, v2;
	v49 =	vld.idx.msk [tilespmem:v36+s17+$0x0], $0xffff  }
0xf4: {  	v6 =	vld.idx.msk [tilespmem:v37+s17+$0x0], $0xffff  }
0xf5: {  	v19 =	vmul.f32 v19, v15;
	v50 =	vmul.f32 v39, v14;
	v51 =	vld.idx.msk [tilespmem:v38+s17+$0x0], $0xffff;
	[tilespmem:v40+s15+$0x0] =	vst.idx.msk $0xffff, v48  }
0xf6: {  	v52 =	vld.idx.msk [tilespmem:v42+s17+$0x0], $0xffff  }
0xf7: {  	v53 =	vmul.f32 v47, v13;
	v19 =	vadd.f32 v50, v19;
	v40 =	vld.idx.msk [tilespmem:v45+s17+$0x0], $0xffff  }
0xf8: {  	v54 =	vld.idx.msk [tilespmem:v35+s17+$0x0], $0xffff  }
0xf9: {  	v1 =	vmul.f32 v46, v12;
	v19 =	vadd.f32 v53, v19;
	v55 =	vld.idx.msk [tilespmem:v44+s17+$0x0], $0xffff  }
0xfa: {  	v6 =	vmul.f32 v6, v24;
	v0 =	vmul.f32 v51, v25  }
0xfb: {  	v1 =	vadd.f32 v1, v19;
	v19 =	vld.idx.msk [tilespmem:v43+s17+$0x0], $0xffff;
	v2 =	vmul.f32 v49, v22  }
0xfc: {  	v0 =	vadd.f32 v0, v6;
	v39 =	vmul.f32 v52, v34;
	v40 =	vmul.f32 v40, v31  }
0xfd: {  	[tilespmem:v16+s15+$0x0] =	vst.idx.msk $0xffff, v1;
	v56 =	vmul.f32 v54, v20  }
0xfe: {  	v16 =	vmul.f32 v55, v30;
	v0 =	vadd.f32 v2, v0;
	v6 =	vadd.f32 v40, v39  }
0xff: {  	v57 =	vld.idx.msk [tilespmem:v27+s18+$0x0], $0xffff  }
0x100: {  	v23 =	vld.idx.msk [tilespmem:v23+s18+$0x0], $0xffff;
	v0 =	vadd.f32 v56, v0;
	v6 =	vadd.f32 v16, v6;
	v16 =	vmul.f32 v19, v29  }
0x101: {  	v58 =	vld.idx.msk [tilespmem:v21+s18+$0x0], $0xffff  }
0x102: {  	v18 =	vld.idx.msk [tilespmem:v18+s18+$0x0], $0xffff;
	[tilespmem:v26+s15+$0x0] =	vst.idx.msk $0xffff, v0;
	v6 =	vadd.f32 v16, v6  }
0x103: {  	v0 =	vld.idx.msk [tilespmem:v37+s18+$0x0], $0xffff  }
0x104: {  	[tilespmem:v32+s15+$0x0] =	vst.idx.msk $0xffff, v6;
	v6 =	vld.idx.msk [tilespmem:v38+s18+$0x0], $0xffff  }
0x105: {  	v16 =	vld.idx.msk [tilespmem:v42+s18+$0x0], $0xffff  }
0x106: {  	v19 =	vld.idx.msk [tilespmem:v45+s18+$0x0], $0xffff  }
0x107: {  	v2 =	vmul.f32 v57, v15;
	v15 =	vld.idx.msk [tilespmem:v36+s18+$0x0], $0xffff  }
0x108: {  	v21 =	vld.idx.msk [tilespmem:v44+s18+$0x0], $0xffff  }
0x109: {  	v33 =	vmul.f32 v23, v14;
	v1 =	vmul.f32 v58, v13;
	v36 =	vld.idx.msk [tilespmem:v35+s18+$0x0], $0xffff  }
0x10a: {  	v37 =	vld.idx.msk [tilespmem:v43+s18+$0x0], $0xffff;
	v0 =	vmul.f32 v0, v24;
	v6 =	vmul.f32 v6, v25  }
0x10b: {  	v2 =	vadd.f32 v33, v2;
	v38 =	vmul.f32 v16, v34;
	v16 =	vmul.f32 v19, v31  }
0x10c: {  	v39 =	vmul.f32 v18, v12;
	v0 =	vadd.f32 v6, v0;
	v6 =	vmul.f32 v15, v22  }
0x10d: {  	v1 =	vadd.f32 v1, v2;
	v15 =	vmul.f32 v21, v30;
	v2 =	vadd.f32 v16, v38  }
0x10e: {  	v41 =	vor.u32 $0x3FC0, v59;
	v0 =	vadd.f32 v6, v0;
	v6 =	vmul.f32 v36, v20  }
0x10f: {  	v1 =	vadd.f32 v39, v1;
	v40 =	vmul.f32 v37, v29;
	v2 =	vadd.f32 v15, v2  }
0x110: {  	v42 =	vor.u32 $0x3FC1, v59;
	v0 =	vadd.f32 v6, v0  }
0x111: {  	v10 =	vor.u32 $0x3FC2, v59;
	[tilespmem:v11+s15+$0x0] =	vst.idx.msk $0xffff, v1;
	v43 =	vadd.f32 v40, v2  }
0x112: {  	v9 =	vor.u32 $0x3FC3, v59;
	[tilespmem:v17+s15+$0x0] =	vst.idx.msk $0xffff, v0  }
0x113: {  	[tilespmem:v28+s15+$0x0] =	vst.idx.msk $0xffff, v43  }
0x114: {  	v0 =	vld.idx.msk [tilespmem:v41+s12+$0x0], $0xffff  }
0x115: {  	v1 =	vld.idx.msk [tilespmem:v42+s12+$0x0], $0xffff  }
0x116: {  	v44 =	vld.idx.msk [tilespmem:v10+s12+$0x0], $0xffff  }
0x117: {  	v6 =	vld.idx.msk [tilespmem:v9+s12+$0x0], $0xffff;
	_ =	sdelay $0x3  }
0x118: {  	v11 =	vor.u32 $0xF0, v60;
	v45 =	vor.u32 $0x40F0, v60  }
0x119: {  	vm0 =	vge.f32 v1, v0;
	vm10 =	vge.f32 v44, v0;
	vm2 =	vge.f32 v6, v0  }
0x11a: {  	vm3 =	vge.f32 v44, v1;
	vm4 =	vge.f32 v6, v1;
	vm5 =	vge.f32 v6, v44  }
0x11b: {  	vm1 =	vmneg vm0;
	v15 =	vsel vm0, $0x1, v7;
	v16 =	vsel vm3, $0x2, v7  }
0x11c: {  	v17 =	vsel vm4, $0xFFFFF800, v7;
	v20 =	vsel vm10, $0x2, v7;
	v21 =	vsel vm2, $0x4, v7  }
0x11d: {  	v22 =	vsel vm4, $0x4, v7;
	v20 =	vor.u32 v21, v20;
	v21 =	vsel vm1, $0x1, v7  }
0x11e: {  	v15 =	vor.u32 v15, v20;
	v20 =	vor.u32 v21, v22;
	v21 =	vsel vm10, $0x2, v62  }
0x11f: {  	v20 =	vor.u32 v16, v20;
	v21 =	vsub.s32 v21, v16;
	v16 =	vsel vm2, $0x1800, v61  }
0x120: {  	v19 =	vsel vm5, $0x4, v7;
	v17 =	vadd.s32 v16, v17;
	v16 =	vshll.u32 v15, $0xA  }
0x121: {  	[tilespmem:$0x1FF00] =	vst v11;
	v20 =	vshll.u32 v20, $0xA;
	v22 =	vor.u32 v11, v16;
	v11 =	vor.u32 $0x20F0, v60  }
0x122: {  	v18 =	vsel vm5, $0xFFFFF000, v7;
	v19 =	vor.u32 v19, v21;
	v20 =	vor.u32 v11, v20  }
0x123: {  	v21 =	vadd.s32 v18, v17;
	v19 =	vshll.u32 v19, $0xA;
	[tilespmem:$0x1FF10] =	vst v11;
	v11 =	vor.u32 $0x60F0, v60  }
0x124: {  	v23 =	vor.u32 v45, v19;
	v21 =	vadd.s32 v11, v21  }
0x125: {  	[tilespmem:$0x1FF20] =	vst v11;
	v11 =	vor.u32 $0x70, v60;
	v21 =	vand.u32 $0xFFFFFC80, v21  }
0x126: {  	v21 =	vor.u32 v11, v21;
	v24 =	vld.idx.msk [tilespmem:v22+s3+$0x0], $0xffff  }
0x127: {  	v25 =	vld.idx.msk [tilespmem:v20+s3+$0x0], $0xffff;
	_ =	sdelay $0x1  }
0x128: {  	v26 =	vld.idx.msk [tilespmem:v23+s3+$0x0], $0xffff;
	_ =	sdelay $0x1  }
0x129: {  	v27 =	vld.idx.msk [tilespmem:v21+s3+$0x0], $0xffff  }
0x12a: {  	v24 =	vmul.f32 v24, v0;
	v25 =	vmul.f32 v25, v1;
	_ =	sdelay $0x1  }
0x12b: {  	v24 =	vadd.f32 v25, v24;
	v25 =	vmul.f32 v26, v44;
	_ =	sdelay $0x1  }
0x12c: {  	v24 =	vadd.f32 v25, v24;
	v25 =	vmul.f32 v27, v6;
	_ =	sdelay $0x1  }
0x12d: {  	v24 =	vadd.f32 v25, v24;
	_ =	sdelay $0x1  }
0x12e: {  	[tilespmem:v41+s15+$0x0] =	vst.idx.msk $0xffff, v24  }
0x12f: {  	v24 =	vld.idx.msk [tilespmem:v22+s16+$0x0], $0xffff  }
0x130: {  	v25 =	vld.idx.msk [tilespmem:v20+s16+$0x0], $0xffff;
	_ =	sdelay $0x1  }
0x131: {  	v26 =	vld.idx.msk [tilespmem:v23+s16+$0x0], $0xffff;
	_ =	sdelay $0x1  }
0x132: {  	v27 =	vld.idx.msk [tilespmem:v21+s16+$0x0], $0xffff  }
0x133: {  	v24 =	vmul.f32 v24, v0;
	v25 =	vmul.f32 v25, v1;
	_ =	sdelay $0x1  }
0x134: {  	v24 =	vadd.f32 v25, v24;
	v25 =	vmul.f32 v26, v44;
	_ =	sdelay $0x1  }
0x135: {  	v24 =	vadd.f32 v25, v24;
	v25 =	vmul.f32 v27, v6;
	_ =	sdelay $0x1  }
0x136: {  	v24 =	vadd.f32 v25, v24;
	_ =	sdelay $0x1  }
0x137: {  	[tilespmem:v42+s15+$0x0] =	vst.idx.msk $0xffff, v24  }
0x138: {  	v24 =	vld.idx.msk [tilespmem:v22+s17+$0x0], $0xffff  }
0x139: {  	v25 =	vld.idx.msk [tilespmem:v20+s17+$0x0], $0xffff;
	_ =	sdelay $0x1  }
0x13a: {  	v26 =	vld.idx.msk [tilespmem:v23+s17+$0x0], $0xffff;
	_ =	sdelay $0x1  }
0x13b: {  	v27 =	vld.idx.msk [tilespmem:v21+s17+$0x0], $0xffff  }
0x13c: {  	v24 =	vmul.f32 v24, v0;
	v25 =	vmul.f32 v25, v1;
	_ =	sdelay $0x1  }
0x13d: {  	v24 =	vadd.f32 v25, v24;
	v25 =	vmul.f32 v26, v44;
	_ =	sdelay $0x1  }
0x13e: {  	v24 =	vadd.f32 v25, v24;
	v25 =	vmul.f32 v27, v6;
	_ =	sdelay $0x1  }
0x13f: {  	v24 =	vadd.f32 v25, v24;
	_ =	sdelay $0x1  }
0x140: {  	[tilespmem:v10+s15+$0x0] =	vst.idx.msk $0xffff, v24  }
0x141: {  	v22 =	vld.idx.msk [tilespmem:v22+s18+$0x0], $0xffff  }
0x142: {  	v20 =	vld.idx.msk [tilespmem:v20+s18+$0x0], $0xffff;
	_ =	sdelay $0x1  }
0x143: {  	v23 =	vld.idx.msk [tilespmem:v23+s18+$0x0], $0xffff;
	_ =	sdelay $0x1  }
0x144: {  	v21 =	vld.idx.msk [tilespmem:v21+s18+$0x0], $0xffff  }
0x145: {  	v0 =	vmul.f32 v22, v0;
	v1 =	vmul.f32 v20, v1;
	_ =	sdelay $0x1  }
0x146: {  	[tilespmem:$0x1FF30] =	vst v45;
	v46 =	vmul.f32 v23, v44;
	v0 =	vadd.f32 v1, v0  }
0x147: {  	[tilespmem:$0x1FF50] =	vst v41  }
0x148: {  	[tilespmem:$0x1FF60] =	vst v42;
	v47 =	vmul.f32 v21, v6;
	v0 =	vadd.f32 v46, v0  }
0x149: {  	[tilespmem:$0x1FF70] =	vst v10  }
0x14a: {  	[tilespmem:$0x1FF80] =	vst v9;
	v0 =	vadd.f32 v47, v0  }
0x14b: {  	[tilespmem:$0x1FF40] =	vst v11  }
0x14c: {  	s28 =	sadd.s32 s26, s8;
	[tilespmem:v9+s15+$0x0] =	vst.idx.msk $0xffff, v0  }
0x14d: {  	[hbm4b:s28+s3] =	stream.linear.scatter [tilespmem:s15], [sflag:$0x3], $0x4000, $0x38;
	[tilespmem:$0x18000] =	vst v63  }
0x14e: {  	p0 =	seq.s32 s24, $0xF;
	s30 =	simm.s32 $0x2;
	_ =	swait.ge [sflag:s19], $0x4000  }
0x14f: {  	s31 =	simm.s32 $0x0;
	s26 =	sadd.s32 @!p0 s26, s9;
	[sflag:s19] =	ssyncset.done $0x0  }
0x150: {  	s29 =	simm.s32 @!p0 $0x8000;
	s28 =	simm.s32 @!p0 $0x0;
	[sflag:s19] =	ssyncadd.s32 $0xFFFFC000  }
0x151: {  	v48 =	vmov s31;
	[tilespmem:s29], [sflag:$0x1] =	stream.linear.gather @!p0 [hbm4b:s26+s28], $0x4000, $0x38;
	[tilespmem:$0x18000] =	vst v63  }
0x152: {  	v50 =	vshll.u32 v48, $0x7;
	s26 =	sand.u32 $0xF, s30  }
0x153: {  	v2 =	vand.u32 $0x380, v50;
	v0 =	vshll.u32 v48, $0xA;
	s29 =	sshll.u32 s26, $0x6  }
0x154: {  	v0 =	vand.u32 $0x6000, v0;
	v49 =	vmov s29;
	v6 =	vor.u32 s29, v4  }
0x155: {  	v20 =	vor.u32 s29, v5;
	v21 =	vor.u32 s29, v59;
	v6 =	vand.u32 $0x7E, v6  }
0x156: {  	v22 =	vor.u32 s29, v3;
	v1 =	vshll.u32 v49, $0x3;
	v6 =	vor.u32 v6, v0  }
0x157: {  	v20 =	vand.u32 $0x7F, v20;
	v1 =	vand.u32 $0x1C00, v1;
	v6 =	vor.u32 v2, v6  }
0x158: {  	v22 =	vand.u32 $0x7D, v22;
	v17 =	vor.u32 v1, v6;
	v6 =	vor.u32 v20, v0  }
0x159: {  	p1 =	seq.s32 @!p0 s24, $0x0;
	v20 =	vand.u32 $0x7C, v21;
	v21 =	vor.u32 v22, v0;
	v6 =	vor.u32 v2, v6  }
0x15a: {  	p0 =	por p0, !p1;
	v0 =	vor.u32 v20, v0;
	v21 =	vor.u32 v2, v21;
	v6 =	vor.u32 v1, v6  }
0x15b: {  	_ =	swait.ge @p0 [sflag:s22], $0x4000;
	v0 =	vor.u32 v2, v0;
	v29 =	vor.u32 v1, v21  }
0x15c: {  	[sflag:s22] =	ssyncset.done @p0 $0x0;
	v50 =	vor.u32 v1, v0  }
0x15d: {  	v9 =	vld [tilespmem:$0x1FF90];
	[sflag:s22] =	ssyncadd.s32 @p0 $0xFFFFC000  }
0x15e: {  	v22 =	vld.idx.msk [tilespmem:v17+s14+$0x0], $0xffff;
	[tilespmem:$0x1FEF0] =	vst v6  }
0x15f: {  	v21 =	vld.idx.msk [tilespmem:v6+s14+$0x0], $0xffff  }
0x160: {  	s31 =	simm.s32 $0x0;
	s30 =	simm.s32 $0x1;
	v23 =	vld.idx.msk [tilespmem:v29+s14+$0x0], $0xffff  }
0x161: {  	v14 =	vmov s31;
	s28 =	sand.u32 $0xF, s30;
	v24 =	vld.idx.msk [tilespmem:v50+s14+$0x0], $0xffff  }
0x162: {  	v38 =	vshll.u32 v14, $0x7;
	s26 =	sshll.u32 s26, $0x4;
	s30 =	sshll.u32 s28, $0x6  }
0x163: {  	v52 =	vor.u32 s26, v60;
	v53 =	vmov s26;
	v37 =	vmov s30  }
0x164: {  	v51 =	vor.u32 s26, v9;
	v2 =	vand.u32 $0x80, v53;
	v1 =	vand.u32 $0x7F, v52  }
0x165: {  	v6 =	vand.u32 $0x7F, v51;
	vm11 =	vge.f32 v22, v23;
	vm12 =	vge.f32 v21, v22  }
0x166: {  	vm15 =	vge.f32 v21, v23;
	vm13 =	vge.f32 v22, v24;
	vm14 =	vge.f32 v21, v24  }
0x167: {  	vm8 =	vge.f32 v23, v24;
	v26 =	vsel vm12, $0xFFFFF000, v7;
	v27 =	vsel vm15, $0xFFFFF800, v7  }
0x168: {  	v28 =	vsel vm12, $0x4, v7;
	v54 =	vsel vm11, $0x2, v7;
	v58 =	vsel vm15, $0x4, v7  }
0x169: {  	v30 =	vsel vm14, $0x1800, v61;
	v31 =	vsel vm8, $0x1, v7;
	v55 =	vsel vm13, $0x2, v62  }
0x16a: {  	v56 =	vsel vm13, $0x2, v7;
	v57 =	vsel vm14, $0x4, v7;
	vm9 =	vmneg vm8  }
0x16b: {  	v33 =	vsub.s32 v55, v54;
	v27 =	vadd.s32 v30, v27;
	v30 =	vor.u32 v57, v56  }
0x16c: {  	v12 =	vsel vm9, $0x1, v7;
	v26 =	vadd.s32 v26, v27;
	v27 =	vor.u32 v28, v33  }
0x16d: {  	v28 =	vor.u32 v31, v30;
	v30 =	vor.u32 v12, v58;
	v31 =	vor.u32 s30, v3  }
0x16e: {  	v27 =	vshll.u32 v27, $0xA;
	v0 =	vadd.s32 v51, v26;
	v26 =	vshll.u32 v28, $0xA  }
0x16f: {  	v28 =	vor.u32 v54, v30;
	v31 =	vand.u32 $0x7D, v31;
	v0 =	vand.u32 $0xFFFFFC80, v0  }
0x170: {  	v30 =	vor.u32 s26, v27;
	v28 =	vshll.u32 v28, $0xA;
	v2 =	vor.u32 v2, v26  }
0x171: {  	v26 =	vor.u32 s30, v59;
	v27 =	vor.u32 v6, v0;
	v13 =	vor.u32 s26, v28  }
0x172: {  	v36 =	vor.u32 v1, v2;
	v30 =	vor.u32 v8, v30;
	v6 =	vor.u32 s30, v4  }
0x173: {  	v1 =	vshll.u32 v14, $0xA;
	v28 =	vor.u32 s30, v5;
	v0 =	vshll.u32 v37, $0x3  }
0x174: {  	v2 =	vand.u32 $0x380, v38;
	v26 =	vand.u32 $0x7C, v26;
	v32 =	vor.u32 v63, v13  }
0x175: {  	v6 =	vand.u32 $0x7E, v6;
	v1 =	vand.u32 $0x6000, v1;
	v28 =	vand.u32 $0x7F, v28  }
0x176: {  	v0 =	vand.u32 $0x1C00, v0;
	v6 =	vor.u32 v6, v1;
	v28 =	vor.u32 v28, v1  }
0x177: {  	v26 =	vor.u32 v26, v1;
	v1 =	vor.u32 v31, v1;
	v6 =	vor.u32 v2, v6  }
0x178: {  	v1 =	vor.u32 v2, v1;
	v35 =	vor.u32 v0, v6  }
0x179: {  	s31 =	simm.s32 $0x0;
	v6 =	vor.u32 v2, v28;
	v42 =	vor.u32 v0, v1;
	v39 =	vld.idx.msk [tilespmem:v36+s3+$0x0], $0xffff  }
0x17a: {  	s28 =	sshll.u32 s28, $0x4;
	v54 =	vmov s31;
	s26 =	simm.s32 $0x0;
	v28 =	vor.u32 v2, v26;
	v26 =	vor.u32 v0, v6;
	v6 =	vld.idx.msk [tilespmem:v30+s3+$0x0], $0xffff  }
0x17b: {  	v53 =	vor.u32 s28, v60;
	v56 =	vshll.u32 v54, $0x7;
	s30 =	sand.u32 $0xF, s26;
	v48 =	vor.u32 v0, v28;
	v45 =	vld.idx.msk [tilespmem:v32+s3+$0x0], $0xffff  }
0x17c: {  	v52 =	vmov s28;
	v37 =	vshll.u32 v54, $0xA;
	v12 =	vand.u32 $0x380, v56;
	s31 =	sshll.u32 s30, $0x6;
	v46 =	vld.idx.msk [tilespmem:v27+s3+$0x0], $0xffff  }
0x17d: {  	v37 =	vand.u32 $0x2000, v37;
	v55 =	vmov s31;
	v57 =	vor.u32 s31, v4;
	v31 =	vld.idx.msk [tilespmem:v35+s14+$0x0], $0xffff  }
0x17e: {  	v58 =	vor.u32 s31, v59;
	v59 =	vor.u32 s31, v5;
	v13 =	vor.u32 s31, v3;
	v34 =	vld.idx.msk [tilespmem:v42+s14+$0x0], $0xffff  }
0x17f: {  	v2 =	vand.u32 $0x7F, v53;
	v41 =	vand.u32 $0x7D, v13;
	v47 =	vmul.f32 v39, v24;
	v28 =	vld.idx.msk [tilespmem:v26+s14+$0x0], $0xffff  }
0x180: {  	v14 =	vor.u32 v41, v37;
	v51 =	vmul.f32 v6, v22;
	v33 =	vld.idx.msk [tilespmem:v48+s14+$0x0], $0xffff;
	v49 =	vmul.f32 v45, v23  }
0x181: {  	v0 =	vmul.f32 v46, v21;
	v6 =	vor.u32 s28, v9;
	v39 =	vshll.u32 v55, $0x3  }
0x182: {  	v44 =	vand.u32 $0x7F, v6;
	v39 =	vand.u32 $0x1C00, v39;
	v1 =	vadd.f32 v49, v47  }
0x183: {  	v47 =	vand.u32 $0x7E, v57;
	v49 =	vand.u32 $0x7C, v58;
	v57 =	vor.u32 v12, v14  }
0x184: {  	vm11 =	vge.f32 v31, v34;
	v47 =	vor.u32 v47, v37;
	v49 =	vor.u32 v49, v37  }
0x185: {  	v1 =	vadd.f32 v51, v1;
	vm10 =	vge.f32 v31, v33;
	vm12 =	vge.f32 v28, v31  }
0x186: {  	vm13 =	vge.f32 v28, v34;
	vm14 =	vge.f32 v34, v33;
	vm15 =	vge.f32 v28, v33  }
0x187: {  	v51 =	vand.u32 $0x7F, v59;
	v47 =	vor.u32 v12, v47;
	v58 =	vor.u32 v12, v49  }
0x188: {  	v49 =	vor.u32 v39, v57;
	v3 =	vsel vm11, $0x2, v7;
	v38 =	vsel vm13, $0xFFFFF800, v7  }
0x189: {  	v40 =	vsel vm12, $0xFFFFF000, v7;
	v43 =	vsel vm15, $0x1800, v61;
	v45 =	vsel vm12, $0x4, v7  }
0x18a: {  	v46 =	vsel vm10, $0x2, v62;
	v51 =	vor.u32 v51, v37;
	v41 =	vor.u32 v39, v47  }
0x18b: {  	v59 =	vsel vm14, $0x1, v7;
	v55 =	vor.u32 v39, v58;
	v13 =	vsel vm15, $0x4, v7  }
0x18c: {  	vm8 =	vmneg vm14;
	v14 =	vsel vm13, $0x4, v7;
	v0 =	vadd.f32 v0, v1  }
0x18d: {  	v1 =	vand.u32 $0x80, v52;
	v56 =	vor.u32 v12, v51;
	v12 =	vsel vm10, $0x2, v7  }
0x18e: {  	v46 =	vsub.s32 v46, v3;
	v43 =	vadd.s32 v43, v38;
	v54 =	vsel vm8, $0x1, v7  }
0x18f: {  	v37 =	vor.u32 v39, v56;
	v52 =	vor.u32 v13, v12;
	v45 =	vor.u32 v45, v46  }
0x190: {  	v43 =	vadd.s32 v40, v43;
	v58 =	vor.u32 v54, v14;
	v57 =	vor.u32 v59, v52;
	v40 =	vld.idx.msk [tilespmem:v49+s14+$0x0], $0xffff  }
0x191: {  	v6 =	vadd.s32 v6, v43;
	v45 =	vshll.u32 v45, $0xA;
	v47 =	vor.u32 v3, v58;
	v43 =	vld.idx.msk [tilespmem:v55+s14+$0x0], $0xffff  }
0x192: {  	v46 =	vshll.u32 v57, $0xA;
	v45 =	vor.u32 s28, v45;
	v6 =	vand.u32 $0xFFFFFC80, v6;
	v39 =	vld.idx.msk [tilespmem:v41+s14+$0x0], $0xffff  }
0x193: {  	s31 =	sshll.u32 s30, $0x4;
	v59 =	vshll.u32 v47, $0xA;
	v1 =	vor.u32 v1, v46;
	v45 =	vor.u32 v8, v45  }
0x194: {  	v44 =	vor.u32 v44, v6;
	v6 =	vor.u32 s31, v60;
	v47 =	vor.u32 s28, v59;
	v38 =	vld.idx.msk [tilespmem:v37+s14+$0x0], $0xffff  }
0x195: {  	v60 =	vmov s31;
	v46 =	vor.u32 v2, v1;
	v2 =	vand.u32 $0x7F, v6  }
0x196: {  	v47 =	vor.u32 v63, v47;
	v1 =	vand.u32 $0x80, v60;
	vm14 =	vge.f32 v40, v43  }
0x197: {  	vm9 =	vge.f32 v39, v40;
	vm11 =	vge.f32 v39, v43;
	v3 =	vsel vm14, $0x1, v7  }
0x198: {  	v12 =	vsel vm11, $0x2, v7;
	vm15 =	vmneg vm14;
	v14 =	vsel vm9, $0x2, v7  }
0x199: {  	v59 =	vsel vm11, $0x2, v62;
	vm10 =	vge.f32 v38, v39;
	vm12 =	vge.f32 v38, v43  }
0x19a: {  	vm13 =	vge.f32 v38, v40;
	v13 =	vsel vm15, $0x1, v7;
	v56 =	vsel vm12, $0x4, v7  }
0x19b: {  	[tilespmem:v50+s20+$0x0] =	vst.idx.msk $0xffff, v0;
	v0 =	vsub.s32 v59, v14;
	v6 =	vsel vm13, $0xFFFFF800, v7;
	v54 =	vor.u32 v56, v12  }
0x19c: {  	v52 =	vsel vm10, $0xFFFFF000, v7;
	v58 =	vsel vm13, $0x4, v7;
	v51 =	vor.u32 v3, v54  }
0x19d: {  	v62 =	vld.idx.msk [tilespmem:v32+s16+$0x0], $0xffff;
	v53 =	vsel vm10, $0x4, v7;
	v58 =	vor.u32 v13, v58;
	v51 =	vshll.u32 v51, $0xA  }
0x19e: {  	v59 =	vld.idx.msk [tilespmem:v45+s3+$0x0], $0xffff;
	v57 =	vsel vm12, $0x1800, v61;
	v50 =	vor.u32 v14, v58;
	v1 =	vor.u32 v1, v51  }
0x19f: {  	v61 =	vld.idx.msk [tilespmem:v36+s16+$0x0], $0xffff;
	v0 =	vor.u32 v53, v0;
	v60 =	vshll.u32 v50, $0xA;
	v51 =	vor.u32 v2, v1  }
0x1a0: {  	v13 =	vadd.s32 v57, v6;
	v56 =	vld.idx.msk [tilespmem:v30+s16+$0x0], $0xffff;
	v6 =	vor.u32 s31, v9;
	v12 =	vor.u32 s31, v60  }
0x1a1: {  	v57 =	vld.idx.msk [tilespmem:v46+s3+$0x0], $0xffff;
	v0 =	vshll.u32 v0, $0xA;
	v2 =	vadd.s32 v52, v13;
	v54 =	vor.u32 v63, v12  }
0x1a2: {  	v50 =	vld.idx.msk [tilespmem:v27+s16+$0x0], $0xffff;
	v0 =	vor.u32 s31, v0;
	v14 =	vadd.s32 v6, v2  }
0x1a3: {  	v62 =	vmul.f32 v62, v23;
	v60 =	vld.idx.msk [tilespmem:v47+s3+$0x0], $0xffff;
	v63 =	vand.u32 $0x7F, v6;
	v52 =	vand.u32 $0xFFFFFC80, v14  }
0x1a4: {  	v53 =	vor.u32 v8, v0;
	v61 =	vmul.f32 v61, v24;
	v52 =	vor.u32 v63, v52;
	v58 =	vld.idx.msk [tilespmem:v51+s3+$0x0], $0xffff  }
.LBB2_5:
0x1a5: {  	_ = 	snop  }
0x1a6: {  	v0 =	vld.idx.msk [tilespmem:v54+s3+$0x0], $0xffff  }
0x1a7: {  	v1 =	vld.idx.msk [tilespmem:v44+s3+$0x0], $0xffff  }
0x1a8: {  	v4 =	vld [tilespmem:$0x1FFD0];
	v2 =	vadd.f32 v62, v61;
	v6 =	vmul.f32 v56, v22  }
0x1a9: {  	s28 =	sadd.s32 $0x5, s26;
	v5 =	vld [tilespmem:$0x1FFC0];
	v50 =	vmul.f32 v50, v21  }
0x1aa: {  	v14 =	vld.idx.msk [tilespmem:v53+s3+$0x0], $0xffff;
	s29 =	sshrl.u32 s28, $0x4;
	v57 =	vmul.f32 v57, v33;
	v60 =	vmul.f32 v60, v34;
	v2 =	vadd.f32 v6, v2  }
0x1ab: {  	v25 =	vlaneseq.u32;
	s28 =	sand.u32 $0xF, s28;
	v56 =	vmov s29;
	v59 =	vmul.f32 v59, v31  }
0x1ac: {  	v63 =	vld.idx.msk [tilespmem:v52+s3+$0x0], $0xffff;
	s30 =	sshll.u32 s28, $0x6;
	v58 =	vmul.f32 v58, v43;
	v57 =	vadd.f32 v60, v57;
	v2 =	vadd.f32 v50, v2  }
0x1ad: {  	v20 =	vld [tilespmem:$0x1FFF0];
	v62 =	vshll.u32 v56, $0x7;
	v12 =	vor.u32 s30, v4;
	v0 =	vmul.f32 v0, v40  }
0x1ae: {  	v3 =	vld [tilespmem:$0x1FFE0];
	v13 =	vor.u32 s30, v5;
	v1 =	vmul.f32 v1, v28;
	v57 =	vadd.f32 v59, v57;
	[tilespmem:v29+s20+$0x0] =	vst.idx.msk $0xffff, v2  }
0x1af: {  	v56 =	vshll.u32 v56, $0xA;
	v0 =	vadd.f32 v0, v58;
	v29 =	vmul.f32 v14, v39;
	v58 =	vld.idx.msk [tilespmem:v27+s17+$0x0], $0xffff  }
0x1b0: {  	v6 =	vmov s30;
	v56 =	vand.u32 $0x6000, v56;
	v1 =	vadd.f32 v1, v57;
	v57 =	vld.idx.msk [tilespmem:v30+s17+$0x0], $0xffff  }
0x1b1: {  	v62 =	vand.u32 $0x380, v62;
	v61 =	vld.idx.msk [tilespmem:v36+s17+$0x0], $0xffff;
	v0 =	vadd.f32 v29, v0;
	v29 =	vmul.f32 v63, v38  }
0x1b2: {  	v13 =	vand.u32 $0x7F, v13;
	v6 =	vshll.u32 v6, $0x3;
	v50 =	vand.u32 $0x7E, v12;
	[tilespmem:v48+s20+$0x0] =	vst.idx.msk $0xffff, v1;
	v1 =	vld.idx.msk [tilespmem:v32+s17+$0x0], $0xffff  }
0x1b3: {  	v6 =	vand.u32 $0x1C00, v6;
	v12 =	vor.u32 v50, v56;
	v60 =	vld.idx.msk [tilespmem:v46+s16+$0x0], $0xffff;
	v0 =	vadd.f32 v29, v0  }
0x1b4: {  	v2 =	vor.u32 s30, v20;
	v14 =	vor.u32 s30, v3;
	v48 =	vor.u32 v62, v12;
	v59 =	vld.idx.msk [tilespmem:v47+s16+$0x0], $0xffff  }
0x1b5: {  	v2 =	vand.u32 $0x7C, v2;
	v29 =	vand.u32 $0x7D, v14;
	v14 =	vor.u32 v13, v56;
	[tilespmem:v55+s20+$0x0] =	vst.idx.msk $0xffff, v0;
	v0 =	vld.idx.msk [tilespmem:v45+s16+$0x0], $0xffff  }
0x1b6: {  	v2 =	vor.u32 v2, v56;
	v63 =	vor.u32 v6, v48;
	v48 =	vor.u32 v62, v14;
	v15 =	vld.idx.msk [tilespmem:v51+s16+$0x0], $0xffff  }
0x1b7: {  	v2 =	vor.u32 v62, v2;
	v29 =	vor.u32 v29, v56;
	v48 =	vor.u32 v6, v48;
	v56 =	vld.idx.msk [tilespmem:v54+s16+$0x0], $0xffff  }
0x1b8: {  	v10 =	vimm.s32 $0x1C00;
	v50 =	vor.u32 v6, v2;
	v8 =	vmovc v63;
	v29 =	vor.u32 v62, v29;
	v62 =	vld.idx.msk [tilespmem:v44+s16+$0x0], $0xffff  }
0x1b9: {  	v29 =	vor.u32 v6, v29;
	v2 =	vld.idx.msk [tilespmem:v53+s16+$0x0], $0xffff;
	v6 =	vmul.f32 v61, v24;
	v1 =	vmul.f32 v1, v23  }
0x1ba: {  	[tilespmem:$0x1FEE0] =	vst v8;
	v8 =	vimm.s32 $0x3;
	v16 =	vld.idx.msk [tilespmem:v52+s16+$0x0], $0xffff;
	v60 =	vmul.f32 v60, v33;
	v59 =	vmul.f32 v59, v34  }
0x1bb: {  	v61 =	vld.idx.msk [tilespmem:v63+s14+$0x0], $0xffff;
	v1 =	vadd.f32 v1, v6;
	v6 =	vmul.f32 v57, v22;
	v0 =	vmul.f32 v0, v31  }
0x1bc: {  	v60 =	vadd.f32 v59, v60;
	v55 =	vld.idx.msk [tilespmem:v48+s14+$0x0], $0xffff;
	v15 =	vmul.f32 v15, v43;
	v56 =	vmul.f32 v56, v40  }
0x1bd: {  	v58 =	vmul.f32 v58, v21;
	v1 =	vadd.f32 v6, v1;
	v6 =	vld.idx.msk [tilespmem:v50+s14+$0x0], $0xffff;
	v62 =	vmul.f32 v62, v28  }
0x1be: {  	s28 =	sshll.u32 s28, $0x4;
	v59 =	vld.idx.msk [tilespmem:v29+s14+$0x0], $0xffff;
	v2 =	vmul.f32 v2, v39;
	v0 =	vadd.f32 v0, v60;
	v15 =	vadd.f32 v56, v15  }
0x1bf: {  	v1 =	vadd.f32 v58, v1;
	v60 =	vor.u32 s28, v25;
	v56 =	vor.u32 s28, v9  }
0x1c0: {  	v0 =	vadd.f32 v62, v0;
	v57 =	vand.u32 $0x7F, v56;
	v2 =	vadd.f32 v2, v15  }
0x1c1: {  	[tilespmem:v17+s20+$0x0] =	vst.idx.msk $0xffff, v1;
	v15 =	vmul.f32 v16, v38;
	v16 =	vand.u32 $0x7F, v60;
	vm1 =	vge.f32 v55, v61  }
0x1c2: {  	v62 =	vmov s28;
	vm2 =	vge.f32 v61, v6;
	vm3 =	vge.f32 v55, v6;
	[tilespmem:v42+s20+$0x0] =	vst.idx.msk $0xffff, v0;
	v0 =	vld.idx.msk [tilespmem:v36+s18+$0x0], $0xffff  }
0x1c3: {  	v1 =	vand.u32 $0x80, v62;
	vm0 =	vge.f32 v61, v59;
	v2 =	vadd.f32 v15, v2;
	v15 =	vld.idx.msk [tilespmem:v45+s17+$0x0], $0xffff  }
0x1c4: {  	vm4 =	vge.f32 v55, v59;
	vm5 =	vge.f32 v59, v6;
	v42 =	vsel vm1, $0xFFFFF000, v7;
	v36 =	vld.idx.msk [tilespmem:v46+s17+$0x0], $0xffff  }
0x1c5: {  	v58 =	vsel vm1, $0x4, v7;
	v60 =	vsel vm3, $0x1800, v10;
	v18 =	vsel vm2, $0x2, v8;
	[tilespmem:v49+s20+$0x0] =	vst.idx.msk $0xffff, v2;
	v2 =	vld.idx.msk [tilespmem:v47+s17+$0x0], $0xffff  }
0x1c6: {  	v11 =	vsel vm2, $0x2, v7;
	v12 =	vsel vm3, $0x4, v7;
	v63 =	vsel vm5, $0x1, v7;
	v62 =	vld.idx.msk [tilespmem:v51+s17+$0x0], $0xffff  }
0x1c7: {  	v17 =	vsel vm0, $0x2, v7;
	v13 =	vsel vm4, $0x4, v7;
	vm9 =	vmneg vm5;
	v19 =	vld.idx.msk [tilespmem:v54+s17+$0x0], $0xffff  }
0x1c8: {  	v14 =	vld.idx.msk [tilespmem:v44+s17+$0x0], $0xffff;
	v11 =	vor.u32 v12, v11;
	v18 =	vsub.s32 v18, v17;
	v49 =	vsel vm4, $0xFFFFF800, v7  }
0x1c9: {  	v12 =	vsel vm9, $0x1, v7;
	v11 =	vor.u32 v63, v11;
	v49 =	vadd.s32 v60, v49;
	v60 =	vld.idx.msk [tilespmem:v53+s17+$0x0], $0xffff  }
0x1ca: {  	v32 =	vld.idx.msk [tilespmem:v32+s18+$0x0], $0xffff;
	v18 =	vor.u32 v58, v18;
	v36 =	vmul.f32 v36, v33;
	v2 =	vmul.f32 v2, v34  }
0x1cb: {  	v12 =	vor.u32 v12, v13;
	v42 =	vadd.s32 v42, v49;
	v49 =	vld.idx.msk [tilespmem:v52+s17+$0x0], $0xffff;
	v58 =	vmul.f32 v15, v31  }
0x1cc: {  	v15 =	vld.idx.msk [tilespmem:v30+s18+$0x0], $0xffff;
	v30 =	vmul.f32 v62, v43;
	v19 =	vmul.f32 v19, v40;
	v2 =	vadd.f32 v2, v36  }
0x1cd: {  	v11 =	vshll.u32 v11, $0xA;
	v18 =	vshll.u32 v18, $0xA;
	v14 =	vmul.f32 v14, v28  }
0x1ce: {  	v19 =	vadd.f32 v19, v30;
	v30 =	vmul.f32 v60, v39;
	v2 =	vadd.f32 v58, v2  }
0x1cf: {  	v12 =	vor.u32 v17, v12;
	v0 =	vmul.f32 v0, v24;
	v58 =	vld.idx.msk [tilespmem:v27+s18+$0x0], $0xffff;
	v27 =	vmul.f32 v32, v23  }
0x1d0: {  	v24 =	vmovc v6;
	v6 =	vadd.f32 v30, v19;
	v19 =	vmul.f32 v49, v38;
	v2 =	vadd.f32 v14, v2  }
0x1d1: {  	v63 =	vld [tilespmem:$0x1FFA0];
	v1 =	vor.u32 v1, v11;
	v56 =	vadd.s32 v56, v42;
	v15 =	vmul.f32 v15, v22  }
0x1d2: {  	v9 =	vld [tilespmem:$0x1FEF0];
	v17 =	vor.u32 s28, v18;
	v0 =	vadd.f32 v27, v0;
	v6 =	vadd.f32 v19, v6;
	[tilespmem:v35+s20+$0x0] =	vst.idx.msk $0xffff, v2  }
0x1d3: {  	s31 =	sadd.s32 $0x4, s26;
	v36 =	vor.u32 v16, v1;
	v60 =	vshll.u32 v12, $0xA;
	v23 =	vmovc v59;
	v59 =	vand.u32 $0xFFFFFC80, v56;
	v11 =	vld.idx.msk [tilespmem:v46+s18+$0x0], $0xffff  }
0x1d4: {  	s29 =	sand.u32 $0xF, s31;
	s30 =	sshrl.u32 s31, $0x4;
	v27 =	vor.u32 v57, v59;
	v0 =	vadd.f32 v15, v0;
	[tilespmem:v41+s20+$0x0] =	vst.idx.msk $0xffff, v6;
	v6 =	vld.idx.msk [tilespmem:v47+s18+$0x0], $0xffff  }
0x1d5: {  	v22 =	vmovc v61;
	v2 =	vor.u32 s28, v60;
	s28 =	sshll.u32 s29, $0x4;
	v61 =	vmul.f32 v58, v21;
	v58 =	vld [tilespmem:$0x1FFB0];
	v46 =	vmov s30;
	s30 =	sshll.u32 s29, $0x6  }
0x1d6: {  	v21 =	vmovc v55;
	v32 =	vor.u32 v63, v2;
	v55 =	vld.idx.msk [tilespmem:v44+s18+$0x0], $0xffff;
	v44 =	vor.u32 s28, v25;
	v49 =	vmov s30  }
0x1d7: {  	v62 =	vld.idx.msk [tilespmem:v51+s18+$0x0], $0xffff;
	v51 =	vshll.u32 v46, $0x7;
	v15 =	vor.u32 s30, v4;
	v13 =	vshll.u32 v46, $0xA  }
0x1d8: {  	v47 =	vld.idx.msk [tilespmem:v54+s18+$0x0], $0xffff;
	v18 =	vor.u32 s30, v5;
	v54 =	vor.u32 s30, v3;
	v0 =	vadd.f32 v61, v0  }
0x1d9: {  	v19 =	vld.idx.msk [tilespmem:v53+s18+$0x0], $0xffff;
	v12 =	vshll.u32 v49, $0x3;
	v14 =	vand.u32 $0x380, v51;
	v15 =	vand.u32 $0x7E, v15  }
0x1da: {  	v56 =	vld.idx.msk [tilespmem:v52+s18+$0x0], $0xffff;
	v18 =	vand.u32 $0x7F, v18;
	v13 =	vand.u32 $0x6000, v13;
	v57 =	vand.u32 $0x7D, v54  }
0x1db: {  	v16 =	vld.idx.msk [tilespmem:v45+s18+$0x0], $0xffff;
	v12 =	vand.u32 $0x1C00, v12;
	v59 =	vor.u32 v15, v13;
	v15 =	vor.u32 v18, v13  }
0x1dc: {  	[tilespmem:v9+s20+$0x0] =	vst.idx.msk $0xffff, v0;
	v0 =	vor.u32 v14, v59;
	v30 =	vor.u32 v58, v17;
	v17 =	vor.u32 s30, v20  }
0x1dd: {  	v11 =	vmul.f32 v11, v33;
	v6 =	vmul.f32 v6, v34;
	v35 =	vor.u32 v12, v0  }
0x1de: {  	s26 =	sadd.s32 $0x3, s26;
	v17 =	vand.u32 $0x7C, v17;
	v1 =	vmul.f32 v62, v43;
	v2 =	vmul.f32 v47, v40  }
0x1df: {  	s31 =	sshrl.u32 s26, $0x4;
	v45 =	vld [tilespmem:$0x1FF90];
	v60 =	vmul.f32 v19, v39;
	v61 =	vmul.f32 v56, v38;
	v62 =	vor.u32 v14, v15  }
0x1e0: {  	s29 =	sand.u32 $0xF, s26;
	v43 =	vmov s28;
	v56 =	vmov s31;
	v6 =	vadd.f32 v6, v11  }
0x1e1: {  	s31 =	sshll.u32 s29, $0x6;
	v11 =	vmul.f32 v16, v31;
	v16 =	vor.u32 v17, v13;
	v13 =	vor.u32 v57, v13  }
0x1e2: {  	s29 =	sshll.u32 s29, $0x4;
	v19 =	vor.u32 s31, v4;
	v57 =	vor.u32 s31, v20;
	v59 =	vor.u32 s31, v5  }
0x1e3: {  	v18 =	vld.idx.msk [tilespmem:v32+s3+$0x0], $0xffff;
	v52 =	vor.u32 s29, v25;
	v53 =	vmov s29;
	v1 =	vadd.f32 v2, v1  }
0x1e4: {  	v38 =	vld.idx.msk [tilespmem:v27+s3+$0x0], $0xffff;
	v33 =	vor.u32 v14, v16;
	v34 =	vor.u32 v14, v13;
	v2 =	vor.u32 s28, v45  }
0x1e5: {  	v9 =	vmovc v48;
	v14 =	vshll.u32 v56, $0xA;
	v19 =	vand.u32 $0x7E, v19;
	v54 =	vand.u32 $0x7F, v52  }
0x1e6: {  	v17 =	vld.idx.msk [tilespmem:v36+s3+$0x0], $0xffff;
	v6 =	vadd.f32 v11, v6;
	v11 =	vmul.f32 v55, v28;
	v48 =	vor.u32 v12, v33  }
0x1e7: {  	v42 =	vor.u32 v12, v34;
	v14 =	vand.u32 $0x2000, v14;
	v1 =	vadd.f32 v60, v1  }
0x1e8: {  	v40 =	vmul.f32 v18, v23;
	v18 =	vshll.u32 v56, $0x7;
	v6 =	vadd.f32 v11, v6  }
0x1e9: {  	v60 =	vor.u32 s31, v3;
	v19 =	vor.u32 v19, v14;
	v0 =	vmul.f32 v38, v21  }
0x1ea: {  	v11 =	vld.idx.msk [tilespmem:v30+s3+$0x0], $0xffff;
	v18 =	vand.u32 $0x380, v18;
	v38 =	vand.u32 $0x7F, v59;
	v1 =	vadd.f32 v61, v1;
	[tilespmem:v26+s20+$0x0] =	vst.idx.msk $0xffff, v6  }
0x1eb: {  	v39 =	vmul.f32 v17, v24;
	v17 =	vmov s31;
	v19 =	vor.u32 v18, v19;
	v31 =	vld.idx.msk [tilespmem:v35+s14+$0x0], $0xffff  }
0x1ec: {  	v38 =	vor.u32 v38, v14;
	v26 =	vor.u32 v12, v62;
	v17 =	vshll.u32 v17, $0x3;
	v33 =	vld.idx.msk [tilespmem:v48+s14+$0x0], $0xffff  }
0x1ed: {  	[tilespmem:v37+s20+$0x0] =	vst.idx.msk $0xffff, v1;
	v1 =	vadd.f32 v40, v39;
	v34 =	vld.idx.msk [tilespmem:v42+s14+$0x0], $0xffff;
	v37 =	vand.u32 $0x7C, v57;
	v39 =	vand.u32 $0x7D, v60  }
0x1ee: {  	v17 =	vand.u32 $0x1C00, v17;
	v39 =	vor.u32 v39, v14;
	v14 =	vor.u32 v37, v14  }
0x1ef: {  	v41 =	vmul.f32 v11, v22;
	v61 =	vor.u32 v18, v39;
	v14 =	vor.u32 v18, v14  }
0x1f0: {  	v6 =	vand.u32 $0x7F, v2;
	v49 =	vor.u32 v17, v61;
	v55 =	vor.u32 v17, v14  }
0x1f1: {  	v28 =	vld.idx.msk [tilespmem:v26+s14+$0x0], $0xffff;
	v1 =	vadd.f32 v41, v1;
	v41 =	vor.u32 v17, v19;
	v19 =	vor.u32 v18, v38  }
0x1f2: {  	vm10 =	vge.f32 v31, v33;
	vm11 =	vge.f32 v31, v34;
	vm13 =	vge.f32 v34, v33  }
0x1f3: {  	v37 =	vor.u32 v17, v19;
	v51 =	vadd.f32 v0, v1;
	v0 =	vand.u32 $0x80, v43  }
0x1f4: {  	v1 =	vand.u32 $0x7F, v44;
	v16 =	vsel vm10, $0x2, v8;
	v18 =	vsel vm13, $0x1, v7  }
0x1f5: {  	v62 =	vsel vm11, $0x2, v7;
	v17 =	vsel vm10, $0x2, v7;
	vm8 =	vmneg vm13  }
0x1f6: {  	v16 =	vsub.s32 v16, v62;
	v45 =	vsel vm8, $0x1, v7;
	vm15 =	vge.f32 v28, v34  }
0x1f7: {  	v40 =	vld.idx.msk [tilespmem:v49+s14+$0x0], $0xffff;
	vm12 =	vge.f32 v28, v31;
	vm14 =	vge.f32 v28, v33;
	v11 =	vsel vm15, $0xFFFFF800, v7  }
0x1f8: {  	v43 =	vld.idx.msk [tilespmem:v55+s14+$0x0], $0xffff;
	v46 =	vsel vm12, $0xFFFFF000, v7;
	v47 =	vsel vm14, $0x1800, v10;
	v19 =	vsel vm14, $0x4, v7  }
0x1f9: {  	v15 =	vsel vm12, $0x4, v7;
	v3 =	vsel vm15, $0x4, v7;
	v17 =	vor.u32 v19, v17  }
0x1fa: {  	v39 =	vld.idx.msk [tilespmem:v41+s14+$0x0], $0xffff;
	v11 =	vadd.s32 v47, v11;
	v15 =	vor.u32 v15, v16;
	v13 =	vor.u32 v45, v3  }
0x1fb: {  	v19 =	vimm.s32 $0x1C00;
	v11 =	vadd.s32 v46, v11;
	v46 =	vor.u32 v18, v17  }
0x1fc: {  	v38 =	vld.idx.msk [tilespmem:v37+s14+$0x0], $0xffff;
	v47 =	vshll.u32 v15, $0xA;
	v2 =	vadd.s32 v2, v11;
	v11 =	vor.u32 v62, v13  }
0x1fd: {  	v12 =	vshll.u32 v46, $0xA;
	v13 =	vor.u32 s28, v47;
	vm14 =	vge.f32 v40, v43  }
0x1fe: {  	v0 =	vor.u32 v0, v12;
	v2 =	vand.u32 $0xFFFFFC80, v2;
	v11 =	vshll.u32 v11, $0xA  }
0x1ff: {  	v45 =	vor.u32 v58, v13;
	vm9 =	vge.f32 v39, v40;
	vm11 =	vge.f32 v39, v43  }
0x200: {  	vm15 =	vmneg vm14;
	v44 =	vor.u32 v6, v2;
	v6 =	vor.u32 s28, v11  }
0x201: {  	v46 =	vor.u32 v1, v0;
	vm10 =	vge.f32 v38, v39;
	v0 =	vand.u32 $0x80, v53  }
0x202: {  	vm12 =	vge.f32 v38, v43;
	vm13 =	vge.f32 v38, v40;
	v11 =	vsel vm14, $0x1, v7  }
0x203: {  	v60 =	vsel vm11, $0x2, v7;
	v17 =	vsel vm9, $0x2, v7;
	v47 =	vor.u32 v63, v6  }
0x204: {  	[tilespmem:$0x1FEF0] =	vst v9;
	v56 =	vsel vm13, $0xFFFFF800, v7;
	v57 =	vsel vm10, $0x4, v7;
	v15 =	vsel vm12, $0x4, v7  }
0x205: {  	v9 =	vld [tilespmem:$0x1FF90];
	[tilespmem:v50+s20+$0x0] =	vst.idx.msk $0xffff, v51;
	v59 =	vsel vm12, $0x1800, v10;
	v16 =	vsel vm13, $0x4, v7;
	v14 =	vor.u32 v15, v60  }
0x206: {  	v50 =	vld.idx.msk [tilespmem:v27+s16+$0x0], $0xffff;
	v15 =	vsel vm15, $0x1, v7;
	v62 =	vadd.s32 v59, v56;
	v11 =	vor.u32 v11, v14  }
0x207: {  	v56 =	vld.idx.msk [tilespmem:v30+s16+$0x0], $0xffff;
	v61 =	vor.u32 v15, v16;
	v15 =	vsel vm11, $0x2, v8;
	v11 =	vshll.u32 v11, $0xA  }
0x208: {  	v16 =	vld.idx.msk [tilespmem:v36+s16+$0x0], $0xffff;
	v14 =	vor.u32 v17, v61;
	v15 =	vsub.s32 v15, v17;
	v0 =	vor.u32 v0, v11  }
0x209: {  	p0 =	slt.u32 s26, $0xFC;
	v14 =	vshll.u32 v14, $0xA;
	v11 =	vld.idx.msk [tilespmem:v32+s16+$0x0], $0xffff;
	v12 =	vor.u32 v57, v15;
	v51 =	vor.u32 v54, v0  }
.Ltmp1:
0x20a: {  	v6 =	vsel vm10, $0xFFFFF000, v7;
	v17 =	vld [tilespmem:$0x1FEE0];
	v14 =	vor.u32 s29, v14;
	v13 =	vshll.u32 v12, $0xA;
	(pc) =	sbr.rel @p0 .LBB2_5-.Ltmp1, $4  }
0x20b: {  	v59 =	vld.idx.msk [tilespmem:v45+s3+$0x0], $0xffff;
	v0 =	vadd.s32 v6, v62;
	v54 =	vor.u32 v63, v14;
	v14 =	vor.u32 s29, v9  }
0x20c: {  	v10 =	vimm.s32 $0x3;
	v57 =	vld.idx.msk [tilespmem:v46+s3+$0x0], $0xffff;
	v1 =	vor.u32 s29, v13;
	v0 =	vadd.s32 v14, v0  }
0x20d: {  	v60 =	vld.idx.msk [tilespmem:v47+s3+$0x0], $0xffff;
	v53 =	vor.u32 v58, v1;
	v62 =	vand.u32 $0x7F, v14;
	v0 =	vand.u32 $0xFFFFFC80, v0  }
0x20e: {  	v61 =	vmul.f32 v16, v24;
	v52 =	vor.u32 v62, v0;
	v62 =	vmul.f32 v11, v23;
	v58 =	vld.idx.msk [tilespmem:v51+s3+$0x0], $0xffff  }
0x20f: {  	_ =	sdelay $0x3  }
0x210: {  	v0 =	vld.idx.msk [tilespmem:v54+s3+$0x0], $0xffff  }
0x211: {  	v1 =	vld.idx.msk [tilespmem:v44+s3+$0x0], $0xffff  }
0x212: {  	v2 =	vld.idx.msk [tilespmem:v53+s3+$0x0], $0xffff;
	v6 =	vmul.f32 v57, v33;
	v11 =	vmul.f32 v60, v34;
	_ =	sdelay $0x1  }
0x213: {  	v12 =	vmul.f32 v59, v31;
	v6 =	vadd.f32 v11, v6;
	v11 =	vld.idx.msk [tilespmem:v52+s3+$0x0], $0xffff  }
0x214: {  	v13 =	vmul.f32 v58, v43;
	v0 =	vmul.f32 v0, v40  }
0x215: {  	v1 =	vmul.f32 v1, v28;
	v6 =	vadd.f32 v12, v6  }
0x216: {  	v2 =	vmul.f32 v2, v39;
	v0 =	vadd.f32 v0, v13  }
0x217: {  	v1 =	vadd.f32 v1, v6  }
0x218: {  	v0 =	vadd.f32 v2, v0;
	v2 =	vmul.f32 v11, v38  }
0x219: {  	[tilespmem:v48+s20+$0x0] =	vst.idx.msk $0xffff, v1  }
0x21a: {  	v0 =	vadd.f32 v2, v0;
	v1 =	vld.idx.msk [tilespmem:v46+s16+$0x0], $0xffff  }
0x21b: {  	v2 =	vld.idx.msk [tilespmem:v47+s16+$0x0], $0xffff  }
0x21c: {  	[tilespmem:v55+s20+$0x0] =	vst.idx.msk $0xffff, v0;
	v0 =	vld.idx.msk [tilespmem:v45+s16+$0x0], $0xffff  }
0x21d: {  	v6 =	vld.idx.msk [tilespmem:v51+s16+$0x0], $0xffff  }
0x21e: {  	v11 =	vadd.f32 v62, v61;
	v62 =	vmul.f32 v56, v22;
	v18 =	vld.idx.msk [tilespmem:v54+s16+$0x0], $0xffff  }
0x21f: {  	v14 =	vmul.f32 v50, v21;
	v15 =	vld.idx.msk [tilespmem:v44+s16+$0x0], $0xffff  }
0x220: {  	v11 =	vadd.f32 v62, v11;
	v20 =	vld.idx.msk [tilespmem:v53+s16+$0x0], $0xffff;
	v1 =	vmul.f32 v1, v33;
	v2 =	vmul.f32 v2, v34;
	_ =	sdelay $0x1  }
0x221: {  	v11 =	vadd.f32 v14, v11;
	v25 =	vld.idx.msk [tilespmem:v52+s16+$0x0], $0xffff;
	v1 =	vadd.f32 v2, v1;
	v0 =	vmul.f32 v0, v31  }
0x222: {  	v2 =	vmul.f32 v6, v43;
	v6 =	vmul.f32 v18, v40  }
0x223: {  	[tilespmem:v29+s20+$0x0] =	vst.idx.msk $0xffff, v11;
	v0 =	vadd.f32 v0, v1;
	v1 =	vmul.f32 v15, v28  }
0x224: {  	v11 =	vld.idx.msk [tilespmem:v36+s17+$0x0], $0xffff;
	v2 =	vadd.f32 v6, v2;
	v6 =	vmul.f32 v20, v39  }
0x225: {  	v48 =	vld.idx.msk [tilespmem:v32+s17+$0x0], $0xffff;
	v0 =	vadd.f32 v1, v0  }
0x226: {  	v50 =	vld.idx.msk [tilespmem:v30+s17+$0x0], $0xffff;
	v2 =	vadd.f32 v6, v2;
	v6 =	vmul.f32 v25, v38  }
0x227: {  	v1 =	vld.idx.msk [tilespmem:v27+s17+$0x0], $0xffff;
	[tilespmem:v42+s20+$0x0] =	vst.idx.msk $0xffff, v0  }
0x228: {  	v0 =	vadd.f32 v6, v2;
	v2 =	vld.idx.msk [tilespmem:v45+s17+$0x0], $0xffff  }
0x229: {  	v6 =	vld.idx.msk [tilespmem:v46+s17+$0x0], $0xffff  }
0x22a: {  	v11 =	vmul.f32 v11, v24;
	v12 =	vmul.f32 v48, v23;
	[tilespmem:v49+s20+$0x0] =	vst.idx.msk $0xffff, v0;
	v0 =	vld.idx.msk [tilespmem:v47+s17+$0x0], $0xffff  }
0x22b: {  	v55 =	vld.idx.msk [tilespmem:v51+s17+$0x0], $0xffff  }
0x22c: {  	v56 =	vmul.f32 v50, v22;
	v11 =	vadd.f32 v12, v11;
	v57 =	vld.idx.msk [tilespmem:v54+s17+$0x0], $0xffff  }
0x22d: {  	v58 =	vld.idx.msk [tilespmem:v44+s17+$0x0], $0xffff  }
0x22e: {  	v11 =	vadd.f32 v56, v11;
	v1 =	vmul.f32 v1, v21;
	v59 =	vld.idx.msk [tilespmem:v53+s17+$0x0], $0xffff  }
0x22f: {  	v6 =	vmul.f32 v6, v33;
	v0 =	vmul.f32 v0, v34  }
0x230: {  	v1 =	vadd.f32 v1, v11;
	v11 =	vld.idx.msk [tilespmem:v52+s17+$0x0], $0xffff;
	v2 =	vmul.f32 v2, v31  }
0x231: {  	v14 =	vmul.f32 v55, v43;
	v13 =	vmul.f32 v57, v40;
	v0 =	vadd.f32 v0, v6  }
0x232: {  	[tilespmem:v17+s20+$0x0] =	vst.idx.msk $0xffff, v1;
	v1 =	vmul.f32 v58, v28  }
0x233: {  	v12 =	vmul.f32 v59, v39;
	v6 =	vadd.f32 v13, v14;
	v0 =	vadd.f32 v2, v0;
	_ =	sdelay $0x1  }
0x234: {  	v60 =	vld.idx.msk [tilespmem:v32+s18+$0x0], $0xffff;
	v11 =	vmul.f32 v11, v38;
	v6 =	vadd.f32 v12, v6;
	v0 =	vadd.f32 v1, v0  }
0x235: {  	v2 =	vld.idx.msk [tilespmem:v36+s18+$0x0], $0xffff  }
0x236: {  	v1 =	vld.idx.msk [tilespmem:v30+s18+$0x0], $0xffff;
	v6 =	vadd.f32 v11, v6;
	[tilespmem:v35+s20+$0x0] =	vst.idx.msk $0xffff, v0  }
0x237: {  	v0 =	vld.idx.msk [tilespmem:v46+s18+$0x0], $0xffff  }
0x238: {  	[tilespmem:v41+s20+$0x0] =	vst.idx.msk $0xffff, v6;
	v6 =	vld.idx.msk [tilespmem:v47+s18+$0x0], $0xffff;
	_ =	sdelay $0x1  }
0x239: {  	v20 =	vld.idx.msk [tilespmem:v45+s18+$0x0], $0xffff  }
0x23a: {  	v13 =	vmul.f32 v60, v23;
	v2 =	vmul.f32 v2, v24  }
0x23b: {  	v25 =	vld.idx.msk [tilespmem:v44+s18+$0x0], $0xffff;
	v1 =	vmul.f32 v1, v22  }
0x23c: {  	v2 =	vadd.f32 v13, v2;
	v0 =	vmul.f32 v0, v33;
	v6 =	vmul.f32 v6, v34;
	_ =	sdelay $0x1  }
0x23d: {  	v11 =	vld.idx.msk [tilespmem:v51+s18+$0x0], $0xffff;
	v1 =	vadd.f32 v1, v2;
	v2 =	vmul.f32 v20, v31;
	v0 =	vadd.f32 v6, v0  }
0x23e: {  	v62 =	vld.idx.msk [tilespmem:v54+s18+$0x0], $0xffff  }
0x23f: {  	v61 =	vld.idx.msk [tilespmem:v27+s18+$0x0], $0xffff;
	v0 =	vadd.f32 v2, v0;
	v2 =	vmul.f32 v25, v28  }
0x240: {  	v16 =	vld.idx.msk [tilespmem:v53+s18+$0x0], $0xffff  }
0x241: {  	v0 =	vadd.f32 v2, v0;
	v2 =	vld [tilespmem:$0x1FEF0]  }
0x242: {  	v27 =	vld.idx.msk [tilespmem:v52+s18+$0x0], $0xffff  }
0x243: {  	v11 =	vmul.f32 v11, v43;
	v14 =	vmul.f32 v62, v40;
	_ =	sdelay $0x1  }
0x244: {  	v29 =	vmul.f32 v16, v39;
	v6 =	vmul.f32 v61, v21;
	v11 =	vadd.f32 v14, v11;
	_ =	sdelay $0x1  }
0x245: {  	v1 =	vadd.f32 v6, v1;
	v6 =	vadd.f32 v29, v11;
	v11 =	vmul.f32 v27, v38;
	_ =	sdelay $0x1  }
0x246: {  	[tilespmem:v2+s20+$0x0] =	vst.idx.msk $0xffff, v1;
	v1 =	vadd.f32 v11, v6  }
0x247: {  	[tilespmem:v26+s20+$0x0] =	vst.idx.msk $0xffff, v0  }
0x248: {  	[tilespmem:v37+s20+$0x0] =	vst.idx.msk $0xffff, v1  }
0x249: {  	v30 =	vld [tilespmem:$0x1FF50]  }
0x24a: {  	v31 =	vld [tilespmem:$0x1FF60]  }
0x24b: {  	v20 =	vld [tilespmem:$0x1FF70]  }
0x24c: {  	v8 =	vld [tilespmem:$0x1FF80];
	_ =	sdelay $0x4  }
0x24d: {  	v0 =	vld.idx.msk [tilespmem:v30+s14+$0x0], $0xffff  }
0x24e: {  	v1 =	vld.idx.msk [tilespmem:v31+s14+$0x0], $0xffff  }
0x24f: {  	v2 =	vld.idx.msk [tilespmem:v20+s14+$0x0], $0xffff  }
0x250: {  	v6 =	vld.idx.msk [tilespmem:v8+s14+$0x0], $0xffff;
	_ =	sdelay $0x3  }
0x251: {  	vm0 =	vge.f32 v1, v0;
	vm15 =	vge.f32 v2, v0  }
0x252: {  	vm2 =	vge.f32 v6, v0;
	vm3 =	vge.f32 v2, v1;
	vm4 =	vge.f32 v6, v1  }
0x253: {  	vm5 =	vge.f32 v6, v2;
	vm1 =	vmneg vm0;
	v11 =	vsel vm0, $0x1, v7  }
0x254: {  	v42 =	vld [tilespmem:$0x1FF00];
	v32 =	vsel vm3, $0x2, v7;
	v33 =	vsel vm4, $0xFFFFF800, v7;
	v34 =	vsel vm5, $0xFFFFF000, v7  }
0x255: {  	v43 =	vld [tilespmem:$0x1FF10];
	v35 =	vsel vm5, $0x4, v7;
	v36 =	vsel vm15, $0x2, v7;
	v37 =	vsel vm2, $0x4, v7  }
0x256: {  	v44 =	vld [tilespmem:$0x1FF20];
	v18 =	vsel vm4, $0x4, v7;
	v16 =	vor.u32 v37, v36;
	v38 =	vsel vm1, $0x1, v7  }
0x257: {  	v45 =	vld [tilespmem:$0x1FF30];
	v40 =	vsel vm15, $0x2, v10;
	v11 =	vor.u32 v11, v16;
	v39 =	vor.u32 v38, v18  }
0x258: {  	v41 =	vsel vm2, $0x1800, v19;
	v16 =	vor.u32 v32, v39;
	v11 =	vshll.u32 v11, $0xA  }
0x259: {  	v47 =	vld [tilespmem:$0x1FF40];
	v12 =	vsub.s32 v40, v32;
	v16 =	vshll.u32 v16, $0xA;
	v11 =	vor.u32 v42, v11  }
0x25a: {  	v13 =	vadd.s32 v41, v33;
	v12 =	vor.u32 v35, v12;
	v15 =	vor.u32 v43, v16  }
0x25b: {  	v13 =	vadd.s32 v34, v13;
	v12 =	vshll.u32 v12, $0xA  }
0x25c: {  	v13 =	vadd.s32 v44, v13;
	v12 =	vor.u32 v45, v12  }
0x25d: {  	v13 =	vand.u32 $0xFFFFFC80, v13  }
0x25e: {  	v13 =	vor.u32 v47, v13;
	v46 =	vld.idx.msk [tilespmem:v11+s3+$0x0], $0xffff  }
0x25f: {  	v48 =	vld.idx.msk [tilespmem:v15+s3+$0x0], $0xffff;
	_ =	sdelay $0x1  }
0x260: {  	v49 =	vld.idx.msk [tilespmem:v12+s3+$0x0], $0xffff;
	_ =	sdelay $0x1  }
0x261: {  	v50 =	vld.idx.msk [tilespmem:v13+s3+$0x0], $0xffff  }
0x262: {  	v14 =	vmul.f32 v46, v0;
	v16 =	vmul.f32 v48, v1;
	_ =	sdelay $0x1  }
0x263: {  	v51 =	vmul.f32 v49, v2;
	v14 =	vadd.f32 v16, v14;
	_ =	sdelay $0x1  }
0x264: {  	v52 =	vmul.f32 v50, v6;
	v14 =	vadd.f32 v51, v14;
	_ =	sdelay $0x1  }
0x265: {  	v14 =	vadd.f32 v52, v14;
	_ =	sdelay $0x1  }
0x266: {  	[tilespmem:v30+s20+$0x0] =	vst.idx.msk $0xffff, v14  }
0x267: {  	v14 =	vld.idx.msk [tilespmem:v11+s16+$0x0], $0xffff  }
0x268: {  	v53 =	vld.idx.msk [tilespmem:v15+s16+$0x0], $0xffff;
	_ =	sdelay $0x1  }
0x269: {  	v54 =	vld.idx.msk [tilespmem:v12+s16+$0x0], $0xffff;
	_ =	sdelay $0x1  }
0x26a: {  	v55 =	vld.idx.msk [tilespmem:v13+s16+$0x0], $0xffff  }
0x26b: {  	v14 =	vmul.f32 v14, v0;
	v16 =	vmul.f32 v53, v1;
	_ =	sdelay $0x1  }
0x26c: {  	v56 =	vmul.f32 v54, v2;
	v14 =	vadd.f32 v16, v14;
	_ =	sdelay $0x1  }
0x26d: {  	v57 =	vmul.f32 v55, v6;
	v14 =	vadd.f32 v56, v14;
	_ =	sdelay $0x1  }
0x26e: {  	v14 =	vadd.f32 v57, v14;
	_ =	sdelay $0x1  }
0x26f: {  	[tilespmem:v31+s20+$0x0] =	vst.idx.msk $0xffff, v14  }
0x270: {  	v14 =	vld.idx.msk [tilespmem:v11+s17+$0x0], $0xffff  }
0x271: {  	v58 =	vld.idx.msk [tilespmem:v15+s17+$0x0], $0xffff;
	_ =	sdelay $0x1  }
0x272: {  	v59 =	vld.idx.msk [tilespmem:v12+s17+$0x0], $0xffff;
	_ =	sdelay $0x1  }
0x273: {  	v60 =	vld.idx.msk [tilespmem:v13+s17+$0x0], $0xffff  }
0x274: {  	v14 =	vmul.f32 v14, v0;
	v16 =	vmul.f32 v58, v1;
	_ =	sdelay $0x1  }
0x275: {  	v61 =	vmul.f32 v59, v2;
	v14 =	vadd.f32 v16, v14;
	_ =	sdelay $0x1  }
0x276: {  	v62 =	vmul.f32 v60, v6;
	v14 =	vadd.f32 v61, v14;
	_ =	sdelay $0x1  }
0x277: {  	v14 =	vadd.f32 v62, v14;
	_ =	sdelay $0x1  }
0x278: {  	[tilespmem:v20+s20+$0x0] =	vst.idx.msk $0xffff, v14  }
0x279: {  	v11 =	vld.idx.msk [tilespmem:v11+s18+$0x0], $0xffff  }
0x27a: {  	v14 =	vld.idx.msk [tilespmem:v15+s18+$0x0], $0xffff;
	_ =	sdelay $0x1  }
0x27b: {  	v12 =	vld.idx.msk [tilespmem:v12+s18+$0x0], $0xffff;
	_ =	sdelay $0x1  }
0x27c: {  	v13 =	vld.idx.msk [tilespmem:v13+s18+$0x0], $0xffff  }
0x27d: {  	v0 =	vmul.f32 v11, v0;
	v1 =	vmul.f32 v14, v1;
	_ =	sdelay $0x1  }
0x27e: {  	v0 =	vadd.f32 v1, v0;
	v1 =	vmul.f32 v12, v2  }
0x27f: {  	s24 =	sadd.s32 $0x1, s24  }
0x280: {  	p0 =	sne.s32 s24, $0x10;
	v0 =	vadd.f32 v1, v0;
	v1 =	vmul.f32 v13, v6  }
.Ltmp2:
0x281: {  	v3 =	vld [tilespmem:$0x1FFE0];
	(pc) =	sbr.rel @p0 .LBB2_2-.Ltmp2, $4  }
0x282: {  	v4 =	vld [tilespmem:$0x1FFD0];
	v0 =	vadd.f32 v1, v0  }
0x283: {  	v5 =	vld [tilespmem:$0x1FFC0]  }
0x284: {  	s25 =	sadd.s32 s2, s25;
	v59 =	vld [tilespmem:$0x1FFF0];
	[tilespmem:v8+s20+$0x0] =	vst.idx.msk $0xffff, v0  }
0x285: {  	v60 =	vlaneseq.u32;
	v61 =	vimm.s32 $0x1C00;
	v0 =	vimm.s32 $0x3;
	v8 =	vld [tilespmem:$0x1FFB0];
	[hbm4b:s25+s3] =	stream.linear.scatter [tilespmem:s20], [sflag:$0x4], $0x4000, $0x38  }
0x286: {  	s23 =	sadd.s32 $0x1, s23  }
0x287: {  	_ =	swait.ge [sflag:s21], $0x4000;
	p0 =	sne.s32 s23, s10  }
.Ltmp3:
0x288: {  	[sflag:s21] =	ssyncset.done $0x0;
	(pc) =	sbr.rel @p0 .LBB2_1-.Ltmp3, $4  }
0x289: {  	[sflag:s21] =	ssyncadd.s32 $0xFFFFC000  }
0x28a: {  	_ =	swait.ge [sflag:s22], $0x4000  }
0x28b: {  	[sflag:s22] =	ssyncset.done $0x0  }
0x28c: {  	[sflag:s22] =	ssyncadd.s32 $0xFFFFC000  }
0x28d: {  	_ =	sfence.sel $0x180000  }
0x28e: {  	[bflag:$0x0] =	sbarrier.arrive $0xFFFF  }
0x28f: {  	p0 =	sne.s32 s4, $0x0;
	_ =	strace $0x90000047  }
0x290: {  	s0 =	sadd.s32 @!p0 $0x100000, s0;
	[bflag:$0x2] =	sbarrier.arrive $0xFFFF  }
0x291: {  	[sflag:s0] =	ssyncadd.tile.s32 @!p0 $0x1;
	_ =	shalt  }
.Lfunc_end2:
_tile_overlayer_lowered:
.L_overlay_start_2:
0x292: {  	(tag) =	ssettag $0x2  }
0x293: {  	s0 =	rddreg [dreg:$0x0];
	s2 =	stileid.u32  }
0x294: {  	s1 =	rddreg [dreg:$0x1];
	p0 =	sne.s32 s2, $0x0  }
0x295: {  	s3 =	rddreg [dreg:$0x2];
	[bflag:$0x3] =	sbarrier.arrive $0xFFFF;
	s2 =	simm.s32 @!p0 $0x1C05  }
0x296: {  	[timem:s3], [sflag:s2] =	dma.local @!p0 [hbm:s0], s1  }
0x297: {  	s0 =	simm.s32 @!p0 $0x5  }
0x298: {  	_ =	swait.ge @!p0 [sflag:s0], s1  }
0x299: {  	s1 =	ssub.s32 @!p0 $0x0, s1;
	[sflag:s0] =	ssyncset.done @!p0 $0x0  }
0x29a: {  	[sflag:s0] =	ssyncadd.s32 @!p0 s1  }
0x29b: {  	[bflag:$0x3] =	sbarrier.arrive $0xFFFF  }
0x29c: {  	_ =	shalt  }

</sc_bundles>
